<compile_context>
chip_gen: v7x
topology: tpu7x:2x2x1
jax: 0.10.2.dev20260603
libtpu: 0.0.44.dev20260713+nightly
codegen_flags: <defaults>
</compile_context>

<pallas_src>
import dataclasses
import functools

import jax
import jax.numpy as jnp
from jax import lax
from jax.experimental import pallas as pl
from jax.experimental.pallas import tpu as pltpu
from jax.experimental.pallas import tpu_sc as plsc

N_NODES = 10000
F = 128
N_GRAPHS = 128
NC, NS = 2, 16
NW = NC * NS
CHUNK = 128
HALF_N = 5000
CORE_ROWS = 5120
DUMMY = HALF_N
N_PAD = NC * CORE_ROWS
SCHUNKS = 160
E_PAD = NS * SCHUNKS * CHUNK
NDW = 4
DCHUNKS = E_PAD // (NC * NDW * CHUNK)
HALF = CORE_ROWS
RPS = CORE_ROWS // NS

_sc_mesh = plsc.VectorSubcoreMesh(core_axis_name="c", subcore_axis_name="s")

_sc_params = pltpu.CompilerParams()
if "needs_layout_passes" in pltpu.CompilerParams.__dataclass_fields__:
    _sc_params = dataclasses.replace(_sc_params, needs_layout_passes=False)



HROWS = HALF // 8


def _sc_degree(dst_idx, zeros):

    @functools.partial(
        pl.kernel,
        out_type=jax.ShapeDtypeStruct((NC, NDW, HROWS, CHUNK), jnp.int32),
        mesh=_sc_mesh,
        compiler_params=_sc_params,
        scratch_types=[
            pltpu.VMEM((DCHUNKS, CHUNK), jnp.int32),
            pltpu.VMEM((HROWS, CHUNK), jnp.int32),
        ],
    )
    def k(dst_hbm, z_hbm, out_hbm, dst_v, hist):
        cid = lax.axis_index("c")
        sid = lax.axis_index("s")

        @pl.when(sid < NDW)
        def _():
            wid = cid * NDW + sid
            pltpu.sync_copy(dst_hbm.at[wid], dst_v)
            pltpu.sync_copy(z_hbm, hist)
            iota = lax.iota(jnp.int32, 16)

            @pl.loop(0, DCHUNKS)
            def _(j):
                @pl.loop(0, CHUNK, step=16)
                def _(kk):
                    kk = pl.multiple_of(kk, 16)
                    d = dst_v[j, pl.ds(kk, 16)]
                    hi = d >= HALF
                    local = d - jnp.where(hi, HALF, 0)
                    val = jnp.where(hi, 1 << 16, 1)
                    row = local >> 3
                    lane = ((local & 7) << 4) + iota
                    plsc.addupdate_scatter(hist, [row, lane], val)

            pltpu.sync_copy(hist, out_hbm.at[cid, sid])

    return k(dst_idx, zeros)


def _make_sc_spmm():

    @functools.partial(
        pl.kernel,
        out_type=jax.ShapeDtypeStruct((NC, CORE_ROWS, F), jnp.float32),
        mesh=_sc_mesh,
        compiler_params=_sc_params,
        scratch_types=[
            pltpu.VMEM((SCHUNKS, CHUNK), jnp.int32),
            pltpu.VMEM((SCHUNKS, CHUNK), jnp.int32),
            pltpu.VMEM((CHUNK, F), jnp.float32),
            pltpu.VMEM((CHUNK, F), jnp.float32),
            pltpu.VMEM_SHARED((CORE_ROWS, F), jnp.float32),
            pltpu.SemaphoreType.DMA,
            pltpu.SemaphoreType.DMA,
        ],
    )
    def k(scaled_hbm, src_hbm, dst_hbm, out_hbm, src_v, dst_v,
          rows_a, rows_b, acc_sh, sem_a, sem_b):
        cid = lax.axis_index("c")
        sid = lax.axis_index("s")
        base = cid * CORE_ROWS
        pltpu.sync_copy(scaled_hbm.at[pl.ds(base + sid * RPS, RPS)],
                        acc_sh.at[pl.ds(sid * RPS, RPS)])
        pltpu.sync_copy(src_hbm.at[sid], src_v)
        pltpu.sync_copy(dst_hbm.at[sid], dst_v)

        @pl.loop(0, SCHUNKS)
        def _(j):
            @pl.loop(0, CHUNK, step=16)
            def _(kk):
                kk = pl.multiple_of(kk, 16)
                d = dst_v[j, pl.ds(kk, 16)]
                local = d - base
                msk = (local >= 0) & (local < CORE_ROWS)
                dst_v[j, pl.ds(kk, 16)] = jnp.where(msk, local,
                                                    DUMMY + (d & 63))

        plsc.subcore_barrier()

        def wait_gather(rows, sem):
            pltpu.make_async_copy(scaled_hbm.at[pl.ds(0, CHUNK)], rows,
                                  sem).wait()

        pltpu.async_copy(scaled_hbm.at[src_v.at[0]], rows_a, sem_a)
        pltpu.async_copy(scaled_hbm.at[src_v.at[1]], rows_b, sem_b)

        @pl.loop(0, SCHUNKS, step=2)
        def _(j):
            for (c, r, sem) in ((j, rows_a, sem_a), (j + 1, rows_b, sem_b)):
                wait_gather(r, sem)
                pltpu.sync_copy(r, acc_sh.at[dst_v.at[c]], add=True)

                @pl.when(c + 2 < SCHUNKS)
                def _():
                    pltpu.async_copy(scaled_hbm.at[src_v.at[c + 2]], r, sem)

        plsc.subcore_barrier()
        pltpu.sync_copy(acc_sh.at[pl.ds(sid * RPS, RPS)],
                        out_hbm.at[cid, pl.ds(sid * RPS, RPS)])

    return k


_sc_spmm = _make_sc_spmm()



def _tc_dis(hists):

    def body(h_ref, o_ref):
        h = h_ref[...]
        lo = jnp.sum(h & 0xFFFF, axis=(0, 1))
        hi = jnp.sum(h >> 16, axis=(0, 1))
        for p, s in enumerate((lo, hi)):
            cnt = jnp.sum(s.reshape(HROWS, 8, 16), axis=2)
            deg = cnt.reshape(HALF, 1).astype(jnp.float32) + 1.0
            o_ref[pl.ds(p * HALF, HALF), :] = lax.rsqrt(deg)

    return pl.pallas_call(
        body, out_shape=jax.ShapeDtypeStruct((N_PAD, 1), jnp.float32))(hists)


def _tc_matmul(x_pad, w):
    def body(x_ref, w_ref, o_ref):
        o_ref[...] = jnp.dot(x_ref[...], w_ref[...],
                             preferred_element_type=jnp.float32)

    return pl.pallas_call(
        body, out_shape=jax.ShapeDtypeStruct((N_PAD, F), jnp.float32))(x_pad, w)


def _tc_prescale(y, dis):
    def body(y_ref, d_ref, o_ref):
        o_ref[...] = d_ref[...] * y_ref[...]

    return pl.pallas_call(
        body, out_shape=jax.ShapeDtypeStruct((N_PAD, F), jnp.float32))(y, dis)


def _agg_h(a_ref, s_ref, d_ref, b_ref):
    del s_ref
    a = jnp.concatenate([a_ref[0], a_ref[1]], axis=0)
    h = jnp.maximum(d_ref[...] * a + b_ref[...], 0.0)
    rows = lax.broadcasted_iota(jnp.int32, (N_PAD, 1), 0)
    return jnp.where((rows % CORE_ROWS) < HALF_N, h, 0.0)


def _tc_combine_matmul(agg, scaled, dis, b, w):

    def body(a_ref, s_ref, d_ref, b_ref, w_ref, o_ref):
        h = _agg_h(a_ref, s_ref, d_ref, b_ref)
        o_ref[...] = d_ref[...] * jnp.dot(h, w_ref[...],
                                          preferred_element_type=jnp.float32)

    return pl.pallas_call(
        body, out_shape=jax.ShapeDtypeStruct((N_PAD, F), jnp.float32))(
            agg, scaled, dis, b, w)


def _tc_finish(agg, scaled, dis, b, batch_row, wl, bl):

    def body(a_ref, s_ref, d_ref, b_ref, g_ref, wl_ref, bl_ref, o_ref):
        h = _agg_h(a_ref, s_ref, d_ref, b_ref)
        gid = lax.broadcasted_iota(jnp.int32, (N_GRAPHS, N_PAD), 0)
        pt = (gid == g_ref[...]).astype(jnp.float32)
        sums = jnp.dot(pt, h, preferred_element_type=jnp.float32)
        cnt = jnp.sum(pt, axis=1)[:, None]
        pooled = sums / jnp.maximum(cnt, 1.0)
        o_ref[...] = jnp.dot(pooled, wl_ref[...],
                             preferred_element_type=jnp.float32) + bl_ref[...]

    return pl.pallas_call(
        body, out_shape=jax.ShapeDtypeStruct((N_GRAPHS, F), jnp.float32))(
            agg, scaled, dis, b, batch_row, wl, bl)



def kernel(x, edge_index, batch, W1, b1, W2, b2, Wl, bl):
    i32 = jnp.int32
    src = edge_index[0].astype(i32)
    dst = edge_index[1].astype(i32)
    src = src + jnp.where(src >= HALF_N, CORE_ROWS - HALF_N, 0)
    dst = dst + jnp.where(dst >= HALF_N, CORE_ROWS - HALF_N, 0)
    e = src.shape[0]
    pad = DUMMY + (jnp.arange(E_PAD - e, dtype=i32) & 63)
    src_flat = jnp.concatenate([src, pad])
    dst_flat = jnp.concatenate([dst, pad])
    src16 = src_flat.reshape(NS, SCHUNKS, CHUNK)
    dst16 = dst_flat.reshape(NS, SCHUNKS, CHUNK)
    dst8 = dst_flat.reshape(NC * NDW, DCHUNKS, CHUNK)
    zrow = jnp.zeros((CORE_ROWS - HALF_N, F), x.dtype)
    x_pad = jnp.concatenate([x[:HALF_N], zrow, x[HALF_N:], zrow])
    gpad = jnp.full((CORE_ROWS - HALF_N,), N_GRAPHS, i32)
    b32 = batch.astype(i32)
    batch_row = jnp.concatenate([b32[:HALF_N], gpad, b32[HALF_N:],
                                 gpad]).reshape(1, N_PAD)

    zeros = jnp.zeros((HROWS, CHUNK), i32)
    hists = _sc_degree(dst8, zeros)
    y1 = _tc_matmul(x_pad, W1)
    dis = _tc_dis(hists)
    scaled1 = _tc_prescale(y1, dis)
    agg1 = _sc_spmm(scaled1, src16, dst16)
    scaled2 = _tc_combine_matmul(agg1, scaled1, dis, b1.reshape(1, F), W2)
    agg2 = _sc_spmm(scaled2, src16, dst16)
    return _tc_finish(agg2, scaled2, dis, b2.reshape(1, F),
                      batch_row, Wl, bl.reshape(1, F))

# --- scband reference (transcript-rebuilt; emitter-appended) ---
"""Pipeline reference for scband-gcn-2783138808357 (READ-ONLY COPY).

The authoritative reference and input builder live on the scoring server;
editing this copy changes nothing except your own understanding.
"""

import jax, jax.numpy as jnp
import numpy as np

N = 10000
E = 320000
D = 128
H = 128
OUT = 128
NUM_GRAPHS = 128


def gcn_conv(x, src, dst, W, b, n):
    # x: [n, in], W: [in, out], b: [out]
    x = x @ W
    ones = jnp.ones(src.shape[0], dtype=x.dtype)
    deg = jax.ops.segment_sum(ones, dst, num_segments=n)
    deg_inv_sqrt = jnp.where(deg > 0, 1.0 / jnp.sqrt(deg), 0.0)
    norm = deg_inv_sqrt[src] * deg_inv_sqrt[dst]
    msg = x[src] * norm[:, None]
    out = jax.ops.segment_sum(msg, dst, num_segments=n)
    return out + b


def setup_inputs(seed: int = 0) -> dict:
    key = jax.random.key(seed)
    ks = jax.random.split(key, 10)
    x = jax.random.normal(ks[0], (N, D), dtype=jnp.float32)
    edge_index = jax.random.randint(ks[1], (2, E), 0, N)
    batch = jnp.sort(jax.random.randint(ks[2], (N,), 0, NUM_GRAPHS))
    W1 = jax.random.normal(ks[3], (D, H), dtype=jnp.float32) * 0.05
    b1 = jnp.zeros((H,), dtype=jnp.float32)
    W2 = jax.random.normal(ks[4], (H, H), dtype=jnp.float32) * 0.05
    b2 = jnp.zeros((H,), dtype=jnp.float32)
    Wl = jax.random.normal(ks[5], (H, OUT), dtype=jnp.float32) * 0.05
    bl = jnp.zeros((OUT,), dtype=jnp.float32)
    return {"x": x, "edge_index": edge_index, "batch": batch,
            "W1": W1, "b1": b1, "W2": W2, "b2": b2, "Wl": Wl, "bl": bl}


def reference(x, edge_index, batch, W1, b1, W2, b2, Wl, bl):
    # add self-loops once (shared by both conv layers)
    loop = jnp.arange(N, dtype=edge_index.dtype)
    src = jnp.concatenate([edge_index[0], loop])
    dst = jnp.concatenate([edge_index[1], loop])
    # layer 1 (dropout p given is 0.0 -> identity)
    h = gcn_conv(x, src, dst, W1, b1, N)
    h = jax.nn.relu(h)
    # layer 2
    h = gcn_conv(h, src, dst, W2, b2, N)
    h = jax.nn.relu(h)
    # global mean pool over graphs in batch
    sums = jax.ops.segment_sum(h, batch, num_segments=NUM_GRAPHS)
    cnt = jax.ops.segment_sum(jnp.ones((N,), dtype=h.dtype), batch, num_segments=NUM_GRAPHS)
    pooled = sums / jnp.maximum(cnt, 1.0)[:, None]
    return pooled @ Wl + bl

if __name__ == "__main__":
    import jax
    _d = setup_inputs()
    print(jax.jit(kernel)(*tuple(_d.values())))

</pallas_src>

<mosaic_0001>
#map = affine_map<(d0, d1) -> (0, 0)>
#map1 = affine_map<(d0, d1) -> (0, 0, 0)>
module attributes {stable_mosaic.version = 14 : i64} {
  func.func @k(%arg0: i32, %arg1: i32, %arg2: memref<10240x128xf32, #tpu.memory_space<hbm>>, %arg3: memref<16x160x128xi32, #tpu.memory_space<hbm>>, %arg4: memref<16x160x128xi32, #tpu.memory_space<hbm>>, %arg5: memref<2x5120x128xf32, #tpu.memory_space<hbm>>, %arg6: memref<160x128xi32, #tpu.memory_space<vmem>>, %arg7: memref<160x128xi32, #tpu.memory_space<vmem>>, %arg8: memref<128x128xf32, #tpu.memory_space<vmem>>, %arg9: memref<128x128xf32, #tpu.memory_space<vmem>>, %arg10: memref<5120x128xf32, #tpu.memory_space<vmem_shared>>, %arg11: memref<!tpu.dma_semaphore, #tpu.memory_space<semaphore_mem>>, %arg12: memref<!tpu.dma_semaphore, #tpu.memory_space<semaphore_mem>>) attributes {dimension_semantics = [#tpu.dimension_semantics<core_parallel>, #tpu.dimension_semantics<subcore_parallel>], iteration_bounds = array<i64: 2, 16>, scalar_prefetch = 0 : i64, scratch_operands = 7 : i64, tpu.core_type = #tpu.core_type<sc_vector_subcore>, window_params = [{transform_indices = #map}, {transform_indices = #map1}, {transform_indices = #map1}, {transform_indices = #map1}]} {
    %mul3A = arith.constant 5120 : i32
    %mul3A_0 = arith.muli %arg0, %mul3A : i32
    %mul3A_1 = arith.constant 320 : i32
    %mul3A_2 = arith.muli %arg1, %mul3A_1 : i32
    %add3A = arith.addi %mul3A_0, %mul3A_2 : i32
    %mul3A_3 = arith.constant 320 : i32
    %mul3A_4 = arith.muli %arg1, %mul3A_3 : i32
    "tpu.region"() ({
      %run_scoped3A = tpu.sem_alloc : memref<!tpu.dma_semaphore, #tpu.memory_space<semaphore_mem>>
      %dma_start3A_32 = arith.constant 0 : i32
      %dma_start3A_33 = tpu.memref_slice %arg10[%mul3A_4, %dma_start3A_32] : memref<5120x128xf32, #tpu.memory_space<vmem_shared>> -> memref<320x128xf32, #tpu.memory_space<vmem_shared>>
      %dma_start3A_34 = arith.constant 0 : i32
      %dma_start3A_35 = tpu.memref_slice %arg2[%add3A, %dma_start3A_34] : memref<10240x128xf32, #tpu.memory_space<hbm>> -> memref<320x128xf32, #tpu.memory_space<hbm>>
      tpu.enqueue_dma source(%dma_start3A_35 : memref<320x128xf32, #tpu.memory_space<hbm>>) target(%dma_start3A_33 : memref<320x128xf32, #tpu.memory_space<vmem_shared>>) target_semaphore(%run_scoped3A : memref<!tpu.dma_semaphore, #tpu.memory_space<semaphore_mem>>)
      %dma_wait3A = arith.constant 0 : i32
      %dma_wait3A_36 = tpu.memref_slice %arg10[%mul3A_4, %dma_wait3A] : memref<5120x128xf32, #tpu.memory_space<vmem_shared>> -> memref<320x128xf32, #tpu.memory_space<vmem_shared>>
      %dma_wait3A_37 = arith.constant 0 : i32
      %dma_wait3A_38 = tpu.memref_slice %arg2[%add3A, %dma_wait3A_37] : memref<10240x128xf32, #tpu.memory_space<hbm>> -> memref<320x128xf32, #tpu.memory_space<hbm>>
      tpu.wait_dma2 semaphore(%run_scoped3A : memref<!tpu.dma_semaphore, #tpu.memory_space<semaphore_mem>>) src(%dma_wait3A_38 : memref<320x128xf32, #tpu.memory_space<hbm>>) dst(%dma_wait3A_36 : memref<320x128xf32, #tpu.memory_space<vmem_shared>>)
      tpu.yield
    }) : () -> ()
    "tpu.region"() ({
      %run_scoped3A = tpu.sem_alloc : memref<!tpu.dma_semaphore, #tpu.memory_space<semaphore_mem>>
      %dma_start3A_32 = arith.constant 0 : i32
      %dma_start3A_33 = arith.constant 0 : i32
      %dma_start3A_34 = tpu.memref_slice %arg3[%arg1, %dma_start3A_32, %dma_start3A_33] : memref<16x160x128xi32, #tpu.memory_space<hbm>> -> memref<1x160x128xi32, #tpu.memory_space<hbm>>
      %dma_start3A_35 = tpu.memref_squeeze %dma_start3A_34 : memref<1x160x128xi32, #tpu.memory_space<hbm>> -> memref<160x128xi32, #tpu.memory_space<hbm>>
      %dma_start3A_36 = arith.constant 0 : i32
      %dma_start3A_37 = arith.constant 0 : i32
      %dma_start3A_38 = tpu.memref_slice %arg3[%arg1, %dma_start3A_36, %dma_start3A_37] : memref<16x160x128xi32, #tpu.memory_space<hbm>> -> memref<1x160x128xi32, #tpu.memory_space<hbm>>
      %dma_start3A_39 = tpu.memref_squeeze %dma_start3A_38 : memref<1x160x128xi32, #tpu.memory_space<hbm>> -> memref<160x128xi32, #tpu.memory_space<hbm>>
      tpu.enqueue_dma source(%dma_start3A_39 : memref<160x128xi32, #tpu.memory_space<hbm>>) target(%arg6 : memref<160x128xi32, #tpu.memory_space<vmem>>) target_semaphore(%run_scoped3A : memref<!tpu.dma_semaphore, #tpu.memory_space<semaphore_mem>>)
      %dma_wait3A = arith.constant 0 : i32
      %dma_wait3A_40 = arith.constant 0 : i32
      %dma_wait3A_41 = tpu.memref_slice %arg3[%arg1, %dma_wait3A, %dma_wait3A_40] : memref<16x160x128xi32, #tpu.memory_space<hbm>> -> memref<1x160x128xi32, #tpu.memory_space<hbm>>
      %dma_wait3A_42 = tpu.memref_squeeze %dma_wait3A_41 : memref<1x160x128xi32, #tpu.memory_space<hbm>> -> memref<160x128xi32, #tpu.memory_space<hbm>>
      %dma_wait3A_43 = arith.constant 0 : i32
      %dma_wait3A_44 = arith.constant 0 : i32
      %dma_wait3A_45 = tpu.memref_slice %arg3[%arg1, %dma_wait3A_43, %dma_wait3A_44] : memref<16x160x128xi32, #tpu.memory_space<hbm>> -> memref<1x160x128xi32, #tpu.memory_space<hbm>>
      %dma_wait3A_46 = tpu.memref_squeeze %dma_wait3A_45 : memref<1x160x128xi32, #tpu.memory_space<hbm>> -> memref<160x128xi32, #tpu.memory_space<hbm>>
      tpu.wait_dma2 semaphore(%run_scoped3A : memref<!tpu.dma_semaphore, #tpu.memory_space<semaphore_mem>>) src(%dma_wait3A_46 : memref<160x128xi32, #tpu.memory_space<hbm>>) dst(%arg6 : memref<160x128xi32, #tpu.memory_space<vmem>>)
      tpu.yield
    }) : () -> ()
    "tpu.region"() ({
      %run_scoped3A = tpu.sem_alloc : memref<!tpu.dma_semaphore, #tpu.memory_space<semaphore_mem>>
      %dma_start3A_32 = arith.constant 0 : i32
      %dma_start3A_33 = arith.constant 0 : i32
      %dma_start3A_34 = tpu.memref_slice %arg4[%arg1, %dma_start3A_32, %dma_start3A_33] : memref<16x160x128xi32, #tpu.memory_space<hbm>> -> memref<1x160x128xi32, #tpu.memory_space<hbm>>
      %dma_start3A_35 = tpu.memref_squeeze %dma_start3A_34 : memref<1x160x128xi32, #tpu.memory_space<hbm>> -> memref<160x128xi32, #tpu.memory_space<hbm>>
      %dma_start3A_36 = arith.constant 0 : i32
      %dma_start3A_37 = arith.constant 0 : i32
      %dma_start3A_38 = tpu.memref_slice %arg4[%arg1, %dma_start3A_36, %dma_start3A_37] : memref<16x160x128xi32, #tpu.memory_space<hbm>> -> memref<1x160x128xi32, #tpu.memory_space<hbm>>
      %dma_start3A_39 = tpu.memref_squeeze %dma_start3A_38 : memref<1x160x128xi32, #tpu.memory_space<hbm>> -> memref<160x128xi32, #tpu.memory_space<hbm>>
      tpu.enqueue_dma source(%dma_start3A_39 : memref<160x128xi32, #tpu.memory_space<hbm>>) target(%arg7 : memref<160x128xi32, #tpu.memory_space<vmem>>) target_semaphore(%run_scoped3A : memref<!tpu.dma_semaphore, #tpu.memory_space<semaphore_mem>>)
      %dma_wait3A = arith.constant 0 : i32
      %dma_wait3A_40 = arith.constant 0 : i32
      %dma_wait3A_41 = tpu.memref_slice %arg4[%arg1, %dma_wait3A, %dma_wait3A_40] : memref<16x160x128xi32, #tpu.memory_space<hbm>> -> memref<1x160x128xi32, #tpu.memory_space<hbm>>
      %dma_wait3A_42 = tpu.memref_squeeze %dma_wait3A_41 : memref<1x160x128xi32, #tpu.memory_space<hbm>> -> memref<160x128xi32, #tpu.memory_space<hbm>>
      %dma_wait3A_43 = arith.constant 0 : i32
      %dma_wait3A_44 = arith.constant 0 : i32
      %dma_wait3A_45 = tpu.memref_slice %arg4[%arg1, %dma_wait3A_43, %dma_wait3A_44] : memref<16x160x128xi32, #tpu.memory_space<hbm>> -> memref<1x160x128xi32, #tpu.memory_space<hbm>>
      %dma_wait3A_46 = tpu.memref_squeeze %dma_wait3A_45 : memref<1x160x128xi32, #tpu.memory_space<hbm>> -> memref<160x128xi32, #tpu.memory_space<hbm>>
      tpu.wait_dma2 semaphore(%run_scoped3A : memref<!tpu.dma_semaphore, #tpu.memory_space<semaphore_mem>>) src(%dma_wait3A_46 : memref<160x128xi32, #tpu.memory_space<hbm>>) dst(%arg7 : memref<160x128xi32, #tpu.memory_space<vmem>>)
      tpu.yield
    }) : () -> ()
    %scan3A = arith.constant 0 : i32
    %scan3A_5 = arith.constant 160 : i32
    %scan3A_6 = arith.addi %scan3A, %scan3A_5 : i32
    %scan3A_7 = arith.constant 1 : i32
    scf.for %scan3A_32 = %scan3A to %scan3A_6 step %scan3A_7  : i32 {
      %mul3A_33 = arith.constant 1 : i32
      %mul3A_34 = arith.muli %scan3A_32, %mul3A_33 : i32
      %add3A_35 = arith.constant 0 : i32
      %add3A_36 = arith.addi %add3A_35, %mul3A_34 : i32
      %scan3A_37 = arith.constant 0 : i32
      %scan3A_38 = arith.constant 8 : i32
      %scan3A_39 = arith.addi %scan3A_37, %scan3A_38 : i32
      %scan3A_40 = arith.constant 1 : i32
      scf.for %scan3A_42 = %scan3A_37 to %scan3A_39 step %scan3A_40  : i32 {
        %mul3A_43 = arith.constant 16 : i32
        %mul3A_44 = arith.muli %scan3A_42, %mul3A_43 : i32
        %add3A_45 = arith.constant 0 : i32
        %add3A_46 = arith.addi %add3A_45, %mul3A_44 : i32
        %multiple_of3A = tpu.assume_multiple %add3A_46, 16 : i32
        %get3A = arith.index_cast %add3A_36 : i32 to index
        %get3A_47 = arith.index_cast %multiple_of3A : i32 to index
        %get3A_48 = tpu.vector_load %arg7[%get3A, %get3A_47] {strides = array<i32>} : memref<160x128xi32, #tpu.memory_space<vmem>>, vector<16xi32>,
        %sub3A = vector.broadcast %mul3A_0 : i32 to vector<16xi32>
        %sub3A_49 = arith.subi %get3A_48, %sub3A : vector<16xi32>
        %ge3A = arith.constant 0 : i32
        %ge3A_50 = vector.broadcast %ge3A : i32 to vector<16xi32>
        %ge3A_51 = arith.cmpi sge, %sub3A_49, %ge3A_50 : vector<16xi32>
        %lt3A = arith.constant 5120 : i32
        %lt3A_52 = vector.broadcast %lt3A : i32 to vector<16xi32>
        %lt3A_53 = arith.cmpi slt, %sub3A_49, %lt3A_52 : vector<16xi32>
        %and3A = arith.andi %ge3A_51, %lt3A_53 : vector<16xi1>
        %and3A_54 = arith.constant 63 : i32
        %and3A_55 = vector.broadcast %and3A_54 : i32 to vector<16xi32>
        %and3A_56 = arith.andi %get3A_48, %and3A_55 : vector<16xi32>
        %add3A_57 = arith.constant 5000 : i32
        %add3A_58 = vector.broadcast %add3A_57 : i32 to vector<16xi32>
        %add3A_59 = arith.addi %add3A_58, %and3A_56 : vector<16xi32>
        %select_n3A = arith.select %and3A, %sub3A_49, %add3A_59 : vector<16xi1>, vector<16xi32>
        %swap3A = arith.index_cast %add3A_36 : i32 to index
        %swap3A_60 = arith.index_cast %multiple_of3A : i32 to index
        %swap3A_61 = tpu.vector_load %arg7[%swap3A, %swap3A_60] {strides = array<i32>} : memref<160x128xi32, #tpu.memory_space<vmem>>, vector<16xi32>,
        tpu.vector_store %arg7[%swap3A, %swap3A_60], %select_n3A {strides = array<i32>} : memref<160x128xi32, #tpu.memory_space<vmem>>, vector<16xi32>,
      }
      %scan3A_41 = arith.constant 8 : i32
    }
    %scan3A_8 = arith.constant 160 : i32
    %barrier3A = arith.constant 0 : index
    tpu.barrier barrier_id(%barrier3A)
    %dma_start3A = arith.constant 0 : i32
    %dma_start3A_9 = arith.constant 0 : i32
    %dma_start3A_10 = tpu.memref_slice %arg6[%dma_start3A, %dma_start3A_9] : memref<160x128xi32, #tpu.memory_space<vmem>> -> memref<1x128xi32, #tpu.memory_space<vmem>>
    %dma_start3A_11 = tpu.memref_squeeze %dma_start3A_10 : memref<1x128xi32, #tpu.memory_space<vmem>> -> memref<128xi32, #tpu.memory_space<vmem>>
    %dma_start3A_12 = arith.constant 0 : i32
    %dma_start3A_13 = arith.constant 0 : i32
    %dma_start3A_14 = tpu.memref_slice %arg2[%dma_start3A_12, %dma_start3A_13] : memref<10240x128xf32, #tpu.memory_space<hbm>> -> memref<10240x128xf32, #tpu.memory_space<hbm>>
    tpu.enqueue_indirect_dma source(%dma_start3A_14 : memref<10240x128xf32, #tpu.memory_space<hbm>>) target(%arg8 : memref<128x128xf32, #tpu.memory_space<vmem>>) offsets(%dma_start3A_11 : memref<128xi32, #tpu.memory_space<vmem>>) semaphore(%arg11 : memref<!tpu.dma_semaphore, #tpu.memory_space<semaphore_mem>>)
    %dma_start3A_15 = arith.constant 1 : i32
    %dma_start3A_16 = arith.constant 0 : i32
    %dma_start3A_17 = tpu.memref_slice %arg6[%dma_start3A_15, %dma_start3A_16] : memref<160x128xi32, #tpu.memory_space<vmem>> -> memref<1x128xi32, #tpu.memory_space<vmem>>
    %dma_start3A_18 = tpu.memref_squeeze %dma_start3A_17 : memref<1x128xi32, #tpu.memory_space<vmem>> -> memref<128xi32, #tpu.memory_space<vmem>>
    %dma_start3A_19 = arith.constant 0 : i32
    %dma_start3A_20 = arith.constant 0 : i32
    %dma_start3A_21 = tpu.memref_slice %arg2[%dma_start3A_19, %dma_start3A_20] : memref<10240x128xf32, #tpu.memory_space<hbm>> -> memref<10240x128xf32, #tpu.memory_space<hbm>>
    tpu.enqueue_indirect_dma source(%dma_start3A_21 : memref<10240x128xf32, #tpu.memory_space<hbm>>) target(%arg9 : memref<128x128xf32, #tpu.memory_space<vmem>>) offsets(%dma_start3A_18 : memref<128xi32, #tpu.memory_space<vmem>>) semaphore(%arg12 : memref<!tpu.dma_semaphore, #tpu.memory_space<semaphore_mem>>)
    %scan3A_22 = arith.constant 0 : i32
    %scan3A_23 = arith.constant 80 : i32
    %scan3A_24 = arith.addi %scan3A_22, %scan3A_23 : i32
    %scan3A_25 = arith.constant 1 : i32
    scf.for %scan3A_32 = %scan3A_22 to %scan3A_24 step %scan3A_25  : i32 {
      %mul3A_33 = arith.constant 2 : i32
      %mul3A_34 = arith.muli %scan3A_32, %mul3A_33 : i32
      %add3A_35 = arith.constant 0 : i32
      %add3A_36 = arith.addi %add3A_35, %mul3A_34 : i32
      %add3A_37 = arith.constant 1 : i32
      %add3A_38 = arith.addi %add3A_36, %add3A_37 : i32
      %dma_wait3A = arith.constant 0 : i32
      %dma_wait3A_39 = arith.constant 0 : i32
      %dma_wait3A_40 = tpu.memref_slice %arg2[%dma_wait3A, %dma_wait3A_39] : memref<10240x128xf32, #tpu.memory_space<hbm>> -> memref<128x128xf32, #tpu.memory_space<hbm>>
      %dma_wait3A_41 = arith.constant 0 : i32
      %dma_wait3A_42 = arith.constant 0 : i32
      %dma_wait3A_43 = tpu.memref_slice %arg2[%dma_wait3A_41, %dma_wait3A_42] : memref<10240x128xf32, #tpu.memory_space<hbm>> -> memref<128x128xf32, #tpu.memory_space<hbm>>
      tpu.wait_dma2 semaphore(%arg11 : memref<!tpu.dma_semaphore, #tpu.memory_space<semaphore_mem>>) src(%dma_wait3A_43 : memref<128x128xf32, #tpu.memory_space<hbm>>) dst(%arg8 : memref<128x128xf32, #tpu.memory_space<vmem>>)
      "tpu.region"() ({
        %run_scoped3A = tpu.sem_alloc : memref<!tpu.dma_semaphore, #tpu.memory_space<semaphore_mem>>
        %dma_start3A_61 = arith.constant 0 : i32
        %dma_start3A_62 = tpu.memref_slice %arg7[%add3A_36, %dma_start3A_61] : memref<160x128xi32, #tpu.memory_space<vmem>> -> memref<1x128xi32, #tpu.memory_space<vmem>>
        %dma_start3A_63 = tpu.memref_squeeze %dma_start3A_62 : memref<1x128xi32, #tpu.memory_space<vmem>> -> memref<128xi32, #tpu.memory_space<vmem>>
        %dma_start3A_64 = arith.constant 0 : i32
        %dma_start3A_65 = arith.constant 0 : i32
        %dma_start3A_66 = tpu.memref_slice %arg10[%dma_start3A_64, %dma_start3A_65] : memref<5120x128xf32, #tpu.memory_space<vmem_shared>> -> memref<5120x128xf32, #tpu.memory_space<vmem_shared>>
        tpu.enqueue_indirect_dma source(%arg8 : memref<128x128xf32, #tpu.memory_space<vmem>>) target(%dma_start3A_66 : memref<5120x128xf32, #tpu.memory_space<vmem_shared>>) offsets(%dma_start3A_63 : memref<128xi32, #tpu.memory_space<vmem>>) semaphore(%run_scoped3A : memref<!tpu.dma_semaphore, #tpu.memory_space<semaphore_mem>>) {add = true}
        %dma_wait3A_67 = arith.constant 0 : i32
        %dma_wait3A_68 = tpu.memref_slice %arg7[%add3A_36, %dma_wait3A_67] : memref<160x128xi32, #tpu.memory_space<vmem>> -> memref<1x128xi32, #tpu.memory_space<vmem>>
        %dma_wait3A_69 = tpu.memref_squeeze %dma_wait3A_68 : memref<1x128xi32, #tpu.memory_space<vmem>> -> memref<128xi32, #tpu.memory_space<vmem>>
        %dma_wait3A_70 = arith.constant 0 : i32
        %dma_wait3A_71 = arith.constant 0 : i32
        %dma_wait3A_72 = tpu.memref_slice %arg10[%dma_wait3A_70, %dma_wait3A_71] : memref<5120x128xf32, #tpu.memory_space<vmem_shared>> -> memref<5120x128xf32, #tpu.memory_space<vmem_shared>>
        tpu.wait_indirect_dma semaphore(%run_scoped3A : memref<!tpu.dma_semaphore, #tpu.memory_space<semaphore_mem>>) src(%arg8 : memref<128x128xf32, #tpu.memory_space<vmem>>) dst(%dma_wait3A_72 : memref<5120x128xf32, #tpu.memory_space<vmem_shared>>)
        tpu.yield
      }) : () -> ()
      %add3A_44 = arith.constant 2 : i32
      %add3A_45 = arith.addi %add3A_36, %add3A_44 : i32
      %lt3A = arith.constant 160 : i32
      %lt3A_46 = arith.cmpi slt, %add3A_45, %lt3A : i32
      %convert_element_type3A = arith.extui %lt3A_46 : i1 to i32
      %cond3A = arith.constant 0 : i32
      %cond3A_47 = arith.cmpi ne, %convert_element_type3A, %cond3A : i32
      scf.if %cond3A_47 {
        %add3A_61 = arith.constant 2 : i32
        %add3A_62 = arith.addi %add3A_36, %add3A_61 : i32
        %dma_start3A_63 = arith.constant 0 : i32
        %dma_start3A_64 = tpu.memref_slice %arg6[%add3A_62, %dma_start3A_63] : memref<160x128xi32, #tpu.memory_space<vmem>> -> memref<1x128xi32, #tpu.memory_space<vmem>>
        %dma_start3A_65 = tpu.memref_squeeze %dma_start3A_64 : memref<1x128xi32, #tpu.memory_space<vmem>> -> memref<128xi32, #tpu.memory_space<vmem>>
        %dma_start3A_66 = arith.constant 0 : i32
        %dma_start3A_67 = arith.constant 0 : i32
        %dma_start3A_68 = tpu.memref_slice %arg2[%dma_start3A_66, %dma_start3A_67] : memref<10240x128xf32, #tpu.memory_space<hbm>> -> memref<10240x128xf32, #tpu.memory_space<hbm>>
        tpu.enqueue_indirect_dma source(%dma_start3A_68 : memref<10240x128xf32, #tpu.memory_space<hbm>>) target(%arg8 : memref<128x128xf32, #tpu.memory_space<vmem>>) offsets(%dma_start3A_65 : memref<128xi32, #tpu.memory_space<vmem>>) semaphore(%arg11 : memref<!tpu.dma_semaphore, #tpu.memory_space<semaphore_mem>>)
      } else {
      }
      %dma_wait3A_48 = arith.constant 0 : i32
      %dma_wait3A_49 = arith.constant 0 : i32
      %dma_wait3A_50 = tpu.memref_slice %arg2[%dma_wait3A_48, %dma_wait3A_49] : memref<10240x128xf32, #tpu.memory_space<hbm>> -> memref<128x128xf32, #tpu.memory_space<hbm>>
      %dma_wait3A_51 = arith.constant 0 : i32
      %dma_wait3A_52 = arith.constant 0 : i32
      %dma_wait3A_53 = tpu.memref_slice %arg2[%dma_wait3A_51, %dma_wait3A_52] : memref<10240x128xf32, #tpu.memory_space<hbm>> -> memref<128x128xf32, #tpu.memory_space<hbm>>
      tpu.wait_dma2 semaphore(%arg12 : memref<!tpu.dma_semaphore, #tpu.memory_space<semaphore_mem>>) src(%dma_wait3A_53 : memref<128x128xf32, #tpu.memory_space<hbm>>) dst(%arg9 : memref<128x128xf32, #tpu.memory_space<vmem>>)
      "tpu.region"() ({
        %run_scoped3A = tpu.sem_alloc : memref<!tpu.dma_semaphore, #tpu.memory_space<semaphore_mem>>
        %dma_start3A_61 = arith.constant 0 : i32
        %dma_start3A_62 = tpu.memref_slice %arg7[%add3A_38, %dma_start3A_61] : memref<160x128xi32, #tpu.memory_space<vmem>> -> memref<1x128xi32, #tpu.memory_space<vmem>>
        %dma_start3A_63 = tpu.memref_squeeze %dma_start3A_62 : memref<1x128xi32, #tpu.memory_space<vmem>> -> memref<128xi32, #tpu.memory_space<vmem>>
        %dma_start3A_64 = arith.constant 0 : i32
        %dma_start3A_65 = arith.constant 0 : i32
        %dma_start3A_66 = tpu.memref_slice %arg10[%dma_start3A_64, %dma_start3A_65] : memref<5120x128xf32, #tpu.memory_space<vmem_shared>> -> memref<5120x128xf32, #tpu.memory_space<vmem_shared>>
        tpu.enqueue_indirect_dma source(%arg9 : memref<128x128xf32, #tpu.memory_space<vmem>>) target(%dma_start3A_66 : memref<5120x128xf32, #tpu.memory_space<vmem_shared>>) offsets(%dma_start3A_63 : memref<128xi32, #tpu.memory_space<vmem>>) semaphore(%run_scoped3A : memref<!tpu.dma_semaphore, #tpu.memory_space<semaphore_mem>>) {add = true}
        %dma_wait3A_67 = arith.constant 0 : i32
        %dma_wait3A_68 = tpu.memref_slice %arg7[%add3A_38, %dma_wait3A_67] : memref<160x128xi32, #tpu.memory_space<vmem>> -> memref<1x128xi32, #tpu.memory_space<vmem>>
        %dma_wait3A_69 = tpu.memref_squeeze %dma_wait3A_68 : memref<1x128xi32, #tpu.memory_space<vmem>> -> memref<128xi32, #tpu.memory_space<vmem>>
        %dma_wait3A_70 = arith.constant 0 : i32
        %dma_wait3A_71 = arith.constant 0 : i32
        %dma_wait3A_72 = tpu.memref_slice %arg10[%dma_wait3A_70, %dma_wait3A_71] : memref<5120x128xf32, #tpu.memory_space<vmem_shared>> -> memref<5120x128xf32, #tpu.memory_space<vmem_shared>>
        tpu.wait_indirect_dma semaphore(%run_scoped3A : memref<!tpu.dma_semaphore, #tpu.memory_space<semaphore_mem>>) src(%arg9 : memref<128x128xf32, #tpu.memory_space<vmem>>) dst(%dma_wait3A_72 : memref<5120x128xf32, #tpu.memory_space<vmem_shared>>)
        tpu.yield
      }) : () -> ()
      %add3A_54 = arith.constant 2 : i32
      %add3A_55 = arith.addi %add3A_38, %add3A_54 : i32
      %lt3A_56 = arith.constant 160 : i32
      %lt3A_57 = arith.cmpi slt, %add3A_55, %lt3A_56 : i32
      %convert_element_type3A_58 = arith.extui %lt3A_57 : i1 to i32
      %cond3A_59 = arith.constant 0 : i32
      %cond3A_60 = arith.cmpi ne, %convert_element_type3A_58, %cond3A_59 : i32
      scf.if %cond3A_60 {
        %add3A_61 = arith.constant 2 : i32
        %add3A_62 = arith.addi %add3A_38, %add3A_61 : i32
        %dma_start3A_63 = arith.constant 0 : i32
        %dma_start3A_64 = tpu.memref_slice %arg6[%add3A_62, %dma_start3A_63] : memref<160x128xi32, #tpu.memory_space<vmem>> -> memref<1x128xi32, #tpu.memory_space<vmem>>
        %dma_start3A_65 = tpu.memref_squeeze %dma_start3A_64 : memref<1x128xi32, #tpu.memory_space<vmem>> -> memref<128xi32, #tpu.memory_space<vmem>>
        %dma_start3A_66 = arith.constant 0 : i32
        %dma_start3A_67 = arith.constant 0 : i32
        %dma_start3A_68 = tpu.memref_slice %arg2[%dma_start3A_66, %dma_start3A_67] : memref<10240x128xf32, #tpu.memory_space<hbm>> -> memref<10240x128xf32, #tpu.memory_space<hbm>>
        tpu.enqueue_indirect_dma source(%dma_start3A_68 : memref<10240x128xf32, #tpu.memory_space<hbm>>) target(%arg9 : memref<128x128xf32, #tpu.memory_space<vmem>>) offsets(%dma_start3A_65 : memref<128xi32, #tpu.memory_space<vmem>>) semaphore(%arg12 : memref<!tpu.dma_semaphore, #tpu.memory_space<semaphore_mem>>)
      } else {
      }
    }
    %scan3A_26 = arith.constant 80 : i32
    %barrier3A_27 = arith.constant 0 : index
    tpu.barrier barrier_id(%barrier3A_27)
    %mul3A_28 = arith.constant 320 : i32
    %mul3A_29 = arith.muli %arg1, %mul3A_28 : i32
    %mul3A_30 = arith.constant 320 : i32
    %mul3A_31 = arith.muli %arg1, %mul3A_30 : i32
    "tpu.region"() ({
      %run_scoped3A = tpu.sem_alloc : memref<!tpu.dma_semaphore, #tpu.memory_space<semaphore_mem>>
      %dma_start3A_32 = arith.constant 0 : i32
      %dma_start3A_33 = tpu.memref_slice %arg5[%arg0, %mul3A_31, %dma_start3A_32] : memref<2x5120x128xf32, #tpu.memory_space<hbm>> -> memref<1x320x128xf32, #tpu.memory_space<hbm>>
      %dma_start3A_34 = tpu.memref_squeeze %dma_start3A_33 : memref<1x320x128xf32, #tpu.memory_space<hbm>> -> memref<320x128xf32, #tpu.memory_space<hbm>>
      %dma_start3A_35 = arith.constant 0 : i32
      %dma_start3A_36 = tpu.memref_slice %arg10[%mul3A_29, %dma_start3A_35] : memref<5120x128xf32, #tpu.memory_space<vmem_shared>> -> memref<320x128xf32, #tpu.memory_space<vmem_shared>>
      tpu.enqueue_dma source(%dma_start3A_36 : memref<320x128xf32, #tpu.memory_space<vmem_shared>>) target(%dma_start3A_34 : memref<320x128xf32, #tpu.memory_space<hbm>>) target_semaphore(%run_scoped3A : memref<!tpu.dma_semaphore, #tpu.memory_space<semaphore_mem>>)
      %dma_wait3A = arith.constant 0 : i32
      %dma_wait3A_37 = tpu.memref_slice %arg5[%arg0, %mul3A_31, %dma_wait3A] : memref<2x5120x128xf32, #tpu.memory_space<hbm>> -> memref<1x320x128xf32, #tpu.memory_space<hbm>>
      %dma_wait3A_38 = tpu.memref_squeeze %dma_wait3A_37 : memref<1x320x128xf32, #tpu.memory_space<hbm>> -> memref<320x128xf32, #tpu.memory_space<hbm>>
      %dma_wait3A_39 = arith.constant 0 : i32
      %dma_wait3A_40 = tpu.memref_slice %arg10[%mul3A_29, %dma_wait3A_39] : memref<5120x128xf32, #tpu.memory_space<vmem_shared>> -> memref<320x128xf32, #tpu.memory_space<vmem_shared>>
      tpu.wait_dma2 semaphore(%run_scoped3A : memref<!tpu.dma_semaphore, #tpu.memory_space<semaphore_mem>>) src(%dma_wait3A_40 : memref<320x128xf32, #tpu.memory_space<vmem_shared>>) dst(%dma_wait3A_38 : memref<320x128xf32, #tpu.memory_space<hbm>>)
      tpu.yield
    }) : () -> ()
    return
  }
}

#map = affine_map<(d0, d1) -> (0, 0, 0)>
#map1 = affine_map<(d0, d1) -> (0, 0)>
#map2 = affine_map<(d0, d1) -> (0, 0, 0, 0)>
module attributes {stable_mosaic.version = 14 : i64} {
  func.func @k(%arg0: i32, %arg1: i32, %arg2: memref<8x320x128xi32, #tpu.memory_space<hbm>>, %arg3: memref<640x128xi32, #tpu.memory_space<hbm>>, %arg4: memref<2x4x640x128xi32, #tpu.memory_space<hbm>>, %arg5: memref<320x128xi32, #tpu.memory_space<vmem>>, %arg6: memref<640x128xi32, #tpu.memory_space<vmem>>) attributes {dimension_semantics = [#tpu.dimension_semantics<core_parallel>, #tpu.dimension_semantics<subcore_parallel>], iteration_bounds = array<i64: 2, 16>, scalar_prefetch = 0 : i64, scratch_operands = 2 : i64, tpu.core_type = #tpu.core_type<sc_vector_subcore>, window_params = [{transform_indices = #map}, {transform_indices = #map1}, {transform_indices = #map2}]} {
    %lt3A = arith.constant 4 : i32
    %lt3A_0 = arith.cmpi slt, %arg1, %lt3A : i32
    %convert_element_type3A = arith.extui %lt3A_0 : i1 to i32
    %cond3A = arith.constant 0 : i32
    %cond3A_1 = arith.cmpi ne, %convert_element_type3A, %cond3A : i32
    scf.if %cond3A_1 {
      %mul3A = arith.constant 4 : i32
      %mul3A_2 = arith.muli %arg0, %mul3A : i32
      %add3A = arith.addi %mul3A_2, %arg1 : i32
      "tpu.region"() ({
        %run_scoped3A = tpu.sem_alloc : memref<!tpu.dma_semaphore, #tpu.memory_space<semaphore_mem>>
        %dma_start3A = arith.constant 0 : i32
        %dma_start3A_7 = arith.constant 0 : i32
        %dma_start3A_8 = tpu.memref_slice %arg2[%add3A, %dma_start3A, %dma_start3A_7] : memref<8x320x128xi32, #tpu.memory_space<hbm>> -> memref<1x320x128xi32, #tpu.memory_space<hbm>>
        %dma_start3A_9 = tpu.memref_squeeze %dma_start3A_8 : memref<1x320x128xi32, #tpu.memory_space<hbm>> -> memref<320x128xi32, #tpu.memory_space<hbm>>
        %dma_start3A_10 = arith.constant 0 : i32
        %dma_start3A_11 = arith.constant 0 : i32
        %dma_start3A_12 = tpu.memref_slice %arg2[%add3A, %dma_start3A_10, %dma_start3A_11] : memref<8x320x128xi32, #tpu.memory_space<hbm>> -> memref<1x320x128xi32, #tpu.memory_space<hbm>>
        %dma_start3A_13 = tpu.memref_squeeze %dma_start3A_12 : memref<1x320x128xi32, #tpu.memory_space<hbm>> -> memref<320x128xi32, #tpu.memory_space<hbm>>
        tpu.enqueue_dma source(%dma_start3A_13 : memref<320x128xi32, #tpu.memory_space<hbm>>) target(%arg5 : memref<320x128xi32, #tpu.memory_space<vmem>>) target_semaphore(%run_scoped3A : memref<!tpu.dma_semaphore, #tpu.memory_space<semaphore_mem>>)
        %dma_wait3A = arith.constant 0 : i32
        %dma_wait3A_14 = arith.constant 0 : i32
        %dma_wait3A_15 = tpu.memref_slice %arg2[%add3A, %dma_wait3A, %dma_wait3A_14] : memref<8x320x128xi32, #tpu.memory_space<hbm>> -> memref<1x320x128xi32, #tpu.memory_space<hbm>>
        %dma_wait3A_16 = tpu.memref_squeeze %dma_wait3A_15 : memref<1x320x128xi32, #tpu.memory_space<hbm>> -> memref<320x128xi32, #tpu.memory_space<hbm>>
        %dma_wait3A_17 = arith.constant 0 : i32
        %dma_wait3A_18 = arith.constant 0 : i32
        %dma_wait3A_19 = tpu.memref_slice %arg2[%add3A, %dma_wait3A_17, %dma_wait3A_18] : memref<8x320x128xi32, #tpu.memory_space<hbm>> -> memref<1x320x128xi32, #tpu.memory_space<hbm>>
        %dma_wait3A_20 = tpu.memref_squeeze %dma_wait3A_19 : memref<1x320x128xi32, #tpu.memory_space<hbm>> -> memref<320x128xi32, #tpu.memory_space<hbm>>
        tpu.wait_dma2 semaphore(%run_scoped3A : memref<!tpu.dma_semaphore, #tpu.memory_space<semaphore_mem>>) src(%dma_wait3A_20 : memref<320x128xi32, #tpu.memory_space<hbm>>) dst(%arg5 : memref<320x128xi32, #tpu.memory_space<vmem>>)
        tpu.yield
      }) : () -> ()
      "tpu.region"() ({
        %run_scoped3A = tpu.sem_alloc : memref<!tpu.dma_semaphore, #tpu.memory_space<semaphore_mem>>
        tpu.enqueue_dma source(%arg3 : memref<640x128xi32, #tpu.memory_space<hbm>>) target(%arg6 : memref<640x128xi32, #tpu.memory_space<vmem>>) target_semaphore(%run_scoped3A : memref<!tpu.dma_semaphore, #tpu.memory_space<semaphore_mem>>)
        tpu.wait_dma2 semaphore(%run_scoped3A : memref<!tpu.dma_semaphore, #tpu.memory_space<semaphore_mem>>) src(%arg3 : memref<640x128xi32, #tpu.memory_space<hbm>>) dst(%arg6 : memref<640x128xi32, #tpu.memory_space<vmem>>)
        tpu.yield
      }) : () -> ()
      %iota3A = tpu.iota {dimensions = array<i32: 0>} : vector<16xi32>
      %scan3A = arith.constant 0 : i32
      %scan3A_3 = arith.constant 320 : i32
      %scan3A_4 = arith.addi %scan3A, %scan3A_3 : i32
      %scan3A_5 = arith.constant 1 : i32
      scf.for %scan3A_7 = %scan3A to %scan3A_4 step %scan3A_5  : i32 {
        %mul3A_8 = arith.constant 1 : i32
        %mul3A_9 = arith.muli %scan3A_7, %mul3A_8 : i32
        %add3A_10 = arith.constant 0 : i32
        %add3A_11 = arith.addi %add3A_10, %mul3A_9 : i32
        %scan3A_12 = arith.constant 0 : i32
        %scan3A_13 = arith.constant 8 : i32
        %scan3A_14 = arith.addi %scan3A_12, %scan3A_13 : i32
        %scan3A_15 = arith.constant 1 : i32
        scf.for %scan3A_17 = %scan3A_12 to %scan3A_14 step %scan3A_15  : i32 {
          %mul3A_18 = arith.constant 16 : i32
          %mul3A_19 = arith.muli %scan3A_17, %mul3A_18 : i32
          %add3A_20 = arith.constant 0 : i32
          %add3A_21 = arith.addi %add3A_20, %mul3A_19 : i32
          %multiple_of3A = tpu.assume_multiple %add3A_21, 16 : i32
          %get3A = arith.index_cast %add3A_11 : i32 to index
          %get3A_22 = arith.index_cast %multiple_of3A : i32 to index
          %get3A_23 = tpu.vector_load %arg5[%get3A, %get3A_22] {strides = array<i32>} : memref<320x128xi32, #tpu.memory_space<vmem>>, vector<16xi32>,
          %ge3A = arith.constant 5120 : i32
          %ge3A_24 = vector.broadcast %ge3A : i32 to vector<16xi32>
          %ge3A_25 = arith.cmpi sge, %get3A_23, %ge3A_24 : vector<16xi32>
          %jit3A = arith.constant 5120 : i32
          %jit3A_26 = arith.constant 0 : i32
          %broadcast_in_dim3A = vector.broadcast %jit3A : i32 to vector<16xi32>
          %broadcast_in_dim3A_27 = vector.broadcast %jit3A_26 : i32 to vector<16xi32>
          %select_n3A = arith.select %ge3A_25, %broadcast_in_dim3A, %broadcast_in_dim3A_27 : vector<16xi1>, vector<16xi32>
          %sub3A = arith.subi %get3A_23, %select_n3A : vector<16xi32>
          %jit3A_28 = arith.constant 65536 : i32
          %jit3A_29 = arith.constant 1 : i32
          %broadcast_in_dim3A_30 = vector.broadcast %jit3A_28 : i32 to vector<16xi32>
          %broadcast_in_dim3A_31 = vector.broadcast %jit3A_29 : i32 to vector<16xi32>
          %select_n3A_32 = arith.select %ge3A_25, %broadcast_in_dim3A_30, %broadcast_in_dim3A_31 : vector<16xi1>, vector<16xi32>
          %shift_right_arithmetic3A = arith.constant 3 : i32
          %shift_right_arithmetic3A_33 = vector.broadcast %shift_right_arithmetic3A : i32 to vector<16xi32>
          %shift_right_arithmetic3A_34 = arith.shrsi %sub3A, %shift_right_arithmetic3A_33 : vector<16xi32>
          %and3A = arith.constant 7 : i32
          %and3A_35 = vector.broadcast %and3A : i32 to vector<16xi32>
          %and3A_36 = arith.andi %sub3A, %and3A_35 : vector<16xi32>
          %shift_left3A = arith.constant 4 : i32
          %shift_left3A_37 = vector.broadcast %shift_left3A : i32 to vector<16xi32>
          %shift_left3A_38 = arith.shli %and3A_36, %shift_left3A_37 : vector<16xi32>
          %add3A_39 = arith.addi %shift_left3A_38, %iota3A : vector<16xi32>
          tpu.vector_store_idx %arg6[%shift_right_arithmetic3A_34, %add3A_39], %select_n3A_32 {add = true} : memref<640x128xi32, #tpu.memory_space<vmem>>[vector<16xi32>, vector<16xi32>], vector<16xi32>,
        }
        %scan3A_16 = arith.constant 8 : i32
      }
      %scan3A_6 = arith.constant 320 : i32
      "tpu.region"() ({
        %run_scoped3A = tpu.sem_alloc : memref<!tpu.dma_semaphore, #tpu.memory_space<semaphore_mem>>
        %dma_start3A = arith.constant 0 : i32
        %dma_start3A_7 = arith.constant 0 : i32
        %dma_start3A_8 = tpu.memref_slice %arg4[%arg0, %arg1, %dma_start3A, %dma_start3A_7] : memref<2x4x640x128xi32, #tpu.memory_space<hbm>> -> memref<1x1x640x128xi32, #tpu.memory_space<hbm>>
        %dma_start3A_9 = tpu.memref_squeeze %dma_start3A_8 : memref<1x1x640x128xi32, #tpu.memory_space<hbm>> -> memref<640x128xi32, #tpu.memory_space<hbm>>
        %dma_start3A_10 = arith.constant 0 : i32
        %dma_start3A_11 = arith.constant 0 : i32
        %dma_start3A_12 = tpu.memref_slice %arg4[%arg0, %arg1, %dma_start3A_10, %dma_start3A_11] : memref<2x4x640x128xi32, #tpu.memory_space<hbm>> -> memref<1x1x640x128xi32, #tpu.memory_space<hbm>>
        %dma_start3A_13 = tpu.memref_squeeze %dma_start3A_12 : memref<1x1x640x128xi32, #tpu.memory_space<hbm>> -> memref<640x128xi32, #tpu.memory_space<hbm>>
        tpu.enqueue_dma source(%arg6 : memref<640x128xi32, #tpu.memory_space<vmem>>) target(%dma_start3A_13 : memref<640x128xi32, #tpu.memory_space<hbm>>) target_semaphore(%run_scoped3A : memref<!tpu.dma_semaphore, #tpu.memory_space<semaphore_mem>>)
        %dma_wait3A = arith.constant 0 : i32
        %dma_wait3A_14 = arith.constant 0 : i32
        %dma_wait3A_15 = tpu.memref_slice %arg4[%arg0, %arg1, %dma_wait3A, %dma_wait3A_14] : memref<2x4x640x128xi32, #tpu.memory_space<hbm>> -> memref<1x1x640x128xi32, #tpu.memory_space<hbm>>
        %dma_wait3A_16 = tpu.memref_squeeze %dma_wait3A_15 : memref<1x1x640x128xi32, #tpu.memory_space<hbm>> -> memref<640x128xi32, #tpu.memory_space<hbm>>
        %dma_wait3A_17 = arith.constant 0 : i32
        %dma_wait3A_18 = arith.constant 0 : i32
        %dma_wait3A_19 = tpu.memref_slice %arg4[%arg0, %arg1, %dma_wait3A_17, %dma_wait3A_18] : memref<2x4x640x128xi32, #tpu.memory_space<hbm>> -> memref<1x1x640x128xi32, #tpu.memory_space<hbm>>
        %dma_wait3A_20 = tpu.memref_squeeze %dma_wait3A_19 : memref<1x1x640x128xi32, #tpu.memory_space<hbm>> -> memref<640x128xi32, #tpu.memory_space<hbm>>
        tpu.wait_dma2 semaphore(%run_scoped3A : memref<!tpu.dma_semaphore, #tpu.memory_space<semaphore_mem>>) src(%arg6 : memref<640x128xi32, #tpu.memory_space<vmem>>) dst(%dma_wait3A_20 : memref<640x128xi32, #tpu.memory_space<hbm>>)
        tpu.yield
      }) : () -> ()
    } else {
    }
    return
  }
}

#map = affine_map<(d0, d1) -> (0, 0)>
#map1 = affine_map<(d0, d1) -> (0, 0, 0)>
module attributes {stable_mosaic.version = 14 : i64} {
  func.func @k(%arg0: i32, %arg1: i32, %arg2: memref<10240x128xf32, #tpu.memory_space<hbm>>, %arg3: memref<16x160x128xi32, #tpu.memory_space<hbm>>, %arg4: memref<16x160x128xi32, #tpu.memory_space<hbm>>, %arg5: memref<2x5120x128xf32, #tpu.memory_space<hbm>>, %arg6: memref<160x128xi32, #tpu.memory_space<vmem>>, %arg7: memref<160x128xi32, #tpu.memory_space<vmem>>, %arg8: memref<128x128xf32, #tpu.memory_space<vmem>>, %arg9: memref<128x128xf32, #tpu.memory_space<vmem>>, %arg10: memref<5120x128xf32, #tpu.memory_space<vmem_shared>>, %arg11: memref<!tpu.dma_semaphore, #tpu.memory_space<semaphore_mem>>, %arg12: memref<!tpu.dma_semaphore, #tpu.memory_space<semaphore_mem>>) attributes {dimension_semantics = [#tpu.dimension_semantics<core_parallel>, #tpu.dimension_semantics<subcore_parallel>], iteration_bounds = array<i64: 2, 16>, scalar_prefetch = 0 : i64, scratch_operands = 7 : i64, tpu.core_type = #tpu.core_type<sc_vector_subcore>, window_params = [{transform_indices = #map}, {transform_indices = #map1}, {transform_indices = #map1}, {transform_indices = #map1}]} {
    %mul3A = arith.constant 5120 : i32
    %mul3A_0 = arith.muli %arg0, %mul3A : i32
    %mul3A_1 = arith.constant 320 : i32
    %mul3A_2 = arith.muli %arg1, %mul3A_1 : i32
    %add3A = arith.addi %mul3A_0, %mul3A_2 : i32
    %mul3A_3 = arith.constant 320 : i32
    %mul3A_4 = arith.muli %arg1, %mul3A_3 : i32
    "tpu.region"() ({
      %run_scoped3A = tpu.sem_alloc : memref<!tpu.dma_semaphore, #tpu.memory_space<semaphore_mem>>
      %dma_start3A_32 = arith.constant 0 : i32
      %dma_start3A_33 = tpu.memref_slice %arg10[%mul3A_4, %dma_start3A_32] : memref<5120x128xf32, #tpu.memory_space<vmem_shared>> -> memref<320x128xf32, #tpu.memory_space<vmem_shared>>
      %dma_start3A_34 = arith.constant 0 : i32
      %dma_start3A_35 = tpu.memref_slice %arg2[%add3A, %dma_start3A_34] : memref<10240x128xf32, #tpu.memory_space<hbm>> -> memref<320x128xf32, #tpu.memory_space<hbm>>
      tpu.enqueue_dma source(%dma_start3A_35 : memref<320x128xf32, #tpu.memory_space<hbm>>) target(%dma_start3A_33 : memref<320x128xf32, #tpu.memory_space<vmem_shared>>) target_semaphore(%run_scoped3A : memref<!tpu.dma_semaphore, #tpu.memory_space<semaphore_mem>>)
      %dma_wait3A = arith.constant 0 : i32
      %dma_wait3A_36 = tpu.memref_slice %arg10[%mul3A_4, %dma_wait3A] : memref<5120x128xf32, #tpu.memory_space<vmem_shared>> -> memref<320x128xf32, #tpu.memory_space<vmem_shared>>
      %dma_wait3A_37 = arith.constant 0 : i32
      %dma_wait3A_38 = tpu.memref_slice %arg2[%add3A, %dma_wait3A_37] : memref<10240x128xf32, #tpu.memory_space<hbm>> -> memref<320x128xf32, #tpu.memory_space<hbm>>
      tpu.wait_dma2 semaphore(%run_scoped3A : memref<!tpu.dma_semaphore, #tpu.memory_space<semaphore_mem>>) src(%dma_wait3A_38 : memref<320x128xf32, #tpu.memory_space<hbm>>) dst(%dma_wait3A_36 : memref<320x128xf32, #tpu.memory_space<vmem_shared>>)
      tpu.yield
    }) : () -> ()
    "tpu.region"() ({
      %run_scoped3A = tpu.sem_alloc : memref<!tpu.dma_semaphore, #tpu.memory_space<semaphore_mem>>
      %dma_start3A_32 = arith.constant 0 : i32
      %dma_start3A_33 = arith.constant 0 : i32
      %dma_start3A_34 = tpu.memref_slice %arg3[%arg1, %dma_start3A_32, %dma_start3A_33] : memref<16x160x128xi32, #tpu.memory_space<hbm>> -> memref<1x160x128xi32, #tpu.memory_space<hbm>>
      %dma_start3A_35 = tpu.memref_squeeze %dma_start3A_34 : memref<1x160x128xi32, #tpu.memory_space<hbm>> -> memref<160x128xi32, #tpu.memory_space<hbm>>
      %dma_start3A_36 = arith.constant 0 : i32
      %dma_start3A_37 = arith.constant 0 : i32
      %dma_start3A_38 = tpu.memref_slice %arg3[%arg1, %dma_start3A_36, %dma_start3A_37] : memref<16x160x128xi32, #tpu.memory_space<hbm>> -> memref<1x160x128xi32, #tpu.memory_space<hbm>>
      %dma_start3A_39 = tpu.memref_squeeze %dma_start3A_38 : memref<1x160x128xi32, #tpu.memory_space<hbm>> -> memref<160x128xi32, #tpu.memory_space<hbm>>
      tpu.enqueue_dma source(%dma_start3A_39 : memref<160x128xi32, #tpu.memory_space<hbm>>) target(%arg6 : memref<160x128xi32, #tpu.memory_space<vmem>>) target_semaphore(%run_scoped3A : memref<!tpu.dma_semaphore, #tpu.memory_space<semaphore_mem>>)
      %dma_wait3A = arith.constant 0 : i32
      %dma_wait3A_40 = arith.constant 0 : i32
      %dma_wait3A_41 = tpu.memref_slice %arg3[%arg1, %dma_wait3A, %dma_wait3A_40] : memref<16x160x128xi32, #tpu.memory_space<hbm>> -> memref<1x160x128xi32, #tpu.memory_space<hbm>>
      %dma_wait3A_42 = tpu.memref_squeeze %dma_wait3A_41 : memref<1x160x128xi32, #tpu.memory_space<hbm>> -> memref<160x128xi32, #tpu.memory_space<hbm>>
      %dma_wait3A_43 = arith.constant 0 : i32
      %dma_wait3A_44 = arith.constant 0 : i32
      %dma_wait3A_45 = tpu.memref_slice %arg3[%arg1, %dma_wait3A_43, %dma_wait3A_44] : memref<16x160x128xi32, #tpu.memory_space<hbm>> -> memref<1x160x128xi32, #tpu.memory_space<hbm>>
      %dma_wait3A_46 = tpu.memref_squeeze %dma_wait3A_45 : memref<1x160x128xi32, #tpu.memory_space<hbm>> -> memref<160x128xi32, #tpu.memory_space<hbm>>
      tpu.wait_dma2 semaphore(%run_scoped3A : memref<!tpu.dma_semaphore, #tpu.memory_space<semaphore_mem>>) src(%dma_wait3A_46 : memref<160x128xi32, #tpu.memory_space<hbm>>) dst(%arg6 : memref<160x128xi32, #tpu.memory_space<vmem>>)
      tpu.yield
    }) : () -> ()
    "tpu.region"() ({
      %run_scoped3A = tpu.sem_alloc : memref<!tpu.dma_semaphore, #tpu.memory_space<semaphore_mem>>
      %dma_start3A_32 = arith.constant 0 : i32
      %dma_start3A_33 = arith.constant 0 : i32
      %dma_start3A_34 = tpu.memref_slice %arg4[%arg1, %dma_start3A_32, %dma_start3A_33] : memref<16x160x128xi32, #tpu.memory_space<hbm>> -> memref<1x160x128xi32, #tpu.memory_space<hbm>>
      %dma_start3A_35 = tpu.memref_squeeze %dma_start3A_34 : memref<1x160x128xi32, #tpu.memory_space<hbm>> -> memref<160x128xi32, #tpu.memory_space<hbm>>
      %dma_start3A_36 = arith.constant 0 : i32
      %dma_start3A_37 = arith.constant 0 : i32
      %dma_start3A_38 = tpu.memref_slice %arg4[%arg1, %dma_start3A_36, %dma_start3A_37] : memref<16x160x128xi32, #tpu.memory_space<hbm>> -> memref<1x160x128xi32, #tpu.memory_space<hbm>>
      %dma_start3A_39 = tpu.memref_squeeze %dma_start3A_38 : memref<1x160x128xi32, #tpu.memory_space<hbm>> -> memref<160x128xi32, #tpu.memory_space<hbm>>
      tpu.enqueue_dma source(%dma_start3A_39 : memref<160x128xi32, #tpu.memory_space<hbm>>) target(%arg7 : memref<160x128xi32, #tpu.memory_space<vmem>>) target_semaphore(%run_scoped3A : memref<!tpu.dma_semaphore, #tpu.memory_space<semaphore_mem>>)
      %dma_wait3A = arith.constant 0 : i32
      %dma_wait3A_40 = arith.constant 0 : i32
      %dma_wait3A_41 = tpu.memref_slice %arg4[%arg1, %dma_wait3A, %dma_wait3A_40] : memref<16x160x128xi32, #tpu.memory_space<hbm>> -> memref<1x160x128xi32, #tpu.memory_space<hbm>>
      %dma_wait3A_42 = tpu.memref_squeeze %dma_wait3A_41 : memref<1x160x128xi32, #tpu.memory_space<hbm>> -> memref<160x128xi32, #tpu.memory_space<hbm>>
      %dma_wait3A_43 = arith.constant 0 : i32
      %dma_wait3A_44 = arith.constant 0 : i32
      %dma_wait3A_45 = tpu.memref_slice %arg4[%arg1, %dma_wait3A_43, %dma_wait3A_44] : memref<16x160x128xi32, #tpu.memory_space<hbm>> -> memref<1x160x128xi32, #tpu.memory_space<hbm>>
      %dma_wait3A_46 = tpu.memref_squeeze %dma_wait3A_45 : memref<1x160x128xi32, #tpu.memory_space<hbm>> -> memref<160x128xi32, #tpu.memory_space<hbm>>
      tpu.wait_dma2 semaphore(%run_scoped3A : memref<!tpu.dma_semaphore, #tpu.memory_space<semaphore_mem>>) src(%dma_wait3A_46 : memref<160x128xi32, #tpu.memory_space<hbm>>) dst(%arg7 : memref<160x128xi32, #tpu.memory_space<vmem>>)
      tpu.yield
    }) : () -> ()
    %scan3A = arith.constant 0 : i32
    %scan3A_5 = arith.constant 160 : i32
    %scan3A_6 = arith.addi %scan3A, %scan3A_5 : i32
    %scan3A_7 = arith.constant 1 : i32
    scf.for %scan3A_32 = %scan3A to %scan3A_6 step %scan3A_7  : i32 {
      %mul3A_33 = arith.constant 1 : i32
      %mul3A_34 = arith.muli %scan3A_32, %mul3A_33 : i32
      %add3A_35 = arith.constant 0 : i32
      %add3A_36 = arith.addi %add3A_35, %mul3A_34 : i32
      %scan3A_37 = arith.constant 0 : i32
      %scan3A_38 = arith.constant 8 : i32
      %scan3A_39 = arith.addi %scan3A_37, %scan3A_38 : i32
      %scan3A_40 = arith.constant 1 : i32
      scf.for %scan3A_42 = %scan3A_37 to %scan3A_39 step %scan3A_40  : i32 {
        %mul3A_43 = arith.constant 16 : i32
        %mul3A_44 = arith.muli %scan3A_42, %mul3A_43 : i32
        %add3A_45 = arith.constant 0 : i32
        %add3A_46 = arith.addi %add3A_45, %mul3A_44 : i32
        %multiple_of3A = tpu.assume_multiple %add3A_46, 16 : i32
        %get3A = arith.index_cast %add3A_36 : i32 to index
        %get3A_47 = arith.index_cast %multiple_of3A : i32 to index
        %get3A_48 = tpu.vector_load %arg7[%get3A, %get3A_47] {strides = array<i32>} : memref<160x128xi32, #tpu.memory_space<vmem>>, vector<16xi32>,
        %sub3A = vector.broadcast %mul3A_0 : i32 to vector<16xi32>
        %sub3A_49 = arith.subi %get3A_48, %sub3A : vector<16xi32>
        %ge3A = arith.constant 0 : i32
        %ge3A_50 = vector.broadcast %ge3A : i32 to vector<16xi32>
        %ge3A_51 = arith.cmpi sge, %sub3A_49, %ge3A_50 : vector<16xi32>
        %lt3A = arith.constant 5120 : i32
        %lt3A_52 = vector.broadcast %lt3A : i32 to vector<16xi32>
        %lt3A_53 = arith.cmpi slt, %sub3A_49, %lt3A_52 : vector<16xi32>
        %and3A = arith.andi %ge3A_51, %lt3A_53 : vector<16xi1>
        %and3A_54 = arith.constant 63 : i32
        %and3A_55 = vector.broadcast %and3A_54 : i32 to vector<16xi32>
        %and3A_56 = arith.andi %get3A_48, %and3A_55 : vector<16xi32>
        %add3A_57 = arith.constant 5000 : i32
        %add3A_58 = vector.broadcast %add3A_57 : i32 to vector<16xi32>
        %add3A_59 = arith.addi %add3A_58, %and3A_56 : vector<16xi32>
        %select_n3A = arith.select %and3A, %sub3A_49, %add3A_59 : vector<16xi1>, vector<16xi32>
        %swap3A = arith.index_cast %add3A_36 : i32 to index
        %swap3A_60 = arith.index_cast %multiple_of3A : i32 to index
        %swap3A_61 = tpu.vector_load %arg7[%swap3A, %swap3A_60] {strides = array<i32>} : memref<160x128xi32, #tpu.memory_space<vmem>>, vector<16xi32>,
        tpu.vector_store %arg7[%swap3A, %swap3A_60], %select_n3A {strides = array<i32>} : memref<160x128xi32, #tpu.memory_space<vmem>>, vector<16xi32>,
      }
      %scan3A_41 = arith.constant 8 : i32
    }
    %scan3A_8 = arith.constant 160 : i32
    %barrier3A = arith.constant 0 : index
    tpu.barrier barrier_id(%barrier3A)
    %dma_start3A = arith.constant 0 : i32
    %dma_start3A_9 = arith.constant 0 : i32
    %dma_start3A_10 = tpu.memref_slice %arg6[%dma_start3A, %dma_start3A_9] : memref<160x128xi32, #tpu.memory_space<vmem>> -> memref<1x128xi32, #tpu.memory_space<vmem>>
    %dma_start3A_11 = tpu.memref_squeeze %dma_start3A_10 : memref<1x128xi32, #tpu.memory_space<vmem>> -> memref<128xi32, #tpu.memory_space<vmem>>
    %dma_start3A_12 = arith.constant 0 : i32
    %dma_start3A_13 = arith.constant 0 : i32
    %dma_start3A_14 = tpu.memref_slice %arg2[%dma_start3A_12, %dma_start3A_13] : memref<10240x128xf32, #tpu.memory_space<hbm>> -> memref<10240x128xf32, #tpu.memory_space<hbm>>
    tpu.enqueue_indirect_dma source(%dma_start3A_14 : memref<10240x128xf32, #tpu.memory_space<hbm>>) target(%arg8 : memref<128x128xf32, #tpu.memory_space<vmem>>) offsets(%dma_start3A_11 : memref<128xi32, #tpu.memory_space<vmem>>) semaphore(%arg11 : memref<!tpu.dma_semaphore, #tpu.memory_space<semaphore_mem>>)
    %dma_start3A_15 = arith.constant 1 : i32
    %dma_start3A_16 = arith.constant 0 : i32
    %dma_start3A_17 = tpu.memref_slice %arg6[%dma_start3A_15, %dma_start3A_16] : memref<160x128xi32, #tpu.memory_space<vmem>> -> memref<1x128xi32, #tpu.memory_space<vmem>>
    %dma_start3A_18 = tpu.memref_squeeze %dma_start3A_17 : memref<1x128xi32, #tpu.memory_space<vmem>> -> memref<128xi32, #tpu.memory_space<vmem>>
    %dma_start3A_19 = arith.constant 0 : i32
    %dma_start3A_20 = arith.constant 0 : i32
    %dma_start3A_21 = tpu.memref_slice %arg2[%dma_start3A_19, %dma_start3A_20] : memref<10240x128xf32, #tpu.memory_space<hbm>> -> memref<10240x128xf32, #tpu.memory_space<hbm>>
    tpu.enqueue_indirect_dma source(%dma_start3A_21 : memref<10240x128xf32, #tpu.memory_space<hbm>>) target(%arg9 : memref<128x128xf32, #tpu.memory_space<vmem>>) offsets(%dma_start3A_18 : memref<128xi32, #tpu.memory_space<vmem>>) semaphore(%arg12 : memref<!tpu.dma_semaphore, #tpu.memory_space<semaphore_mem>>)
    %scan3A_22 = arith.constant 0 : i32
    %scan3A_23 = arith.constant 80 : i32
    %scan3A_24 = arith.addi %scan3A_22, %scan3A_23 : i32
    %scan3A_25 = arith.constant 1 : i32
    scf.for %scan3A_32 = %scan3A_22 to %scan3A_24 step %scan3A_25  : i32 {
      %mul3A_33 = arith.constant 2 : i32
      %mul3A_34 = arith.muli %scan3A_32, %mul3A_33 : i32
      %add3A_35 = arith.constant 0 : i32
      %add3A_36 = arith.addi %add3A_35, %mul3A_34 : i32
      %add3A_37 = arith.constant 1 : i32
      %add3A_38 = arith.addi %add3A_36, %add3A_37 : i32
      %dma_wait3A = arith.constant 0 : i32
      %dma_wait3A_39 = arith.constant 0 : i32
      %dma_wait3A_40 = tpu.memref_slice %arg2[%dma_wait3A, %dma_wait3A_39] : memref<10240x128xf32, #tpu.memory_space<hbm>> -> memref<128x128xf32, #tpu.memory_space<hbm>>
      %dma_wait3A_41 = arith.constant 0 : i32
      %dma_wait3A_42 = arith.constant 0 : i32
      %dma_wait3A_43 = tpu.memref_slice %arg2[%dma_wait3A_41, %dma_wait3A_42] : memref<10240x128xf32, #tpu.memory_space<hbm>> -> memref<128x128xf32, #tpu.memory_space<hbm>>
      tpu.wait_dma2 semaphore(%arg11 : memref<!tpu.dma_semaphore, #tpu.memory_space<semaphore_mem>>) src(%dma_wait3A_43 : memref<128x128xf32, #tpu.memory_space<hbm>>) dst(%arg8 : memref<128x128xf32, #tpu.memory_space<vmem>>)
      "tpu.region"() ({
        %run_scoped3A = tpu.sem_alloc : memref<!tpu.dma_semaphore, #tpu.memory_space<semaphore_mem>>
        %dma_start3A_61 = arith.constant 0 : i32
        %dma_start3A_62 = tpu.memref_slice %arg7[%add3A_36, %dma_start3A_61] : memref<160x128xi32, #tpu.memory_space<vmem>> -> memref<1x128xi32, #tpu.memory_space<vmem>>
        %dma_start3A_63 = tpu.memref_squeeze %dma_start3A_62 : memref<1x128xi32, #tpu.memory_space<vmem>> -> memref<128xi32, #tpu.memory_space<vmem>>
        %dma_start3A_64 = arith.constant 0 : i32
        %dma_start3A_65 = arith.constant 0 : i32
        %dma_start3A_66 = tpu.memref_slice %arg10[%dma_start3A_64, %dma_start3A_65] : memref<5120x128xf32, #tpu.memory_space<vmem_shared>> -> memref<5120x128xf32, #tpu.memory_space<vmem_shared>>
        tpu.enqueue_indirect_dma source(%arg8 : memref<128x128xf32, #tpu.memory_space<vmem>>) target(%dma_start3A_66 : memref<5120x128xf32, #tpu.memory_space<vmem_shared>>) offsets(%dma_start3A_63 : memref<128xi32, #tpu.memory_space<vmem>>) semaphore(%run_scoped3A : memref<!tpu.dma_semaphore, #tpu.memory_space<semaphore_mem>>) {add = true}
        %dma_wait3A_67 = arith.constant 0 : i32
        %dma_wait3A_68 = tpu.memref_slice %arg7[%add3A_36, %dma_wait3A_67] : memref<160x128xi32, #tpu.memory_space<vmem>> -> memref<1x128xi32, #tpu.memory_space<vmem>>
        %dma_wait3A_69 = tpu.memref_squeeze %dma_wait3A_68 : memref<1x128xi32, #tpu.memory_space<vmem>> -> memref<128xi32, #tpu.memory_space<vmem>>
        %dma_wait3A_70 = arith.constant 0 : i32
        %dma_wait3A_71 = arith.constant 0 : i32
        %dma_wait3A_72 = tpu.memref_slice %arg10[%dma_wait3A_70, %dma_wait3A_71] : memref<5120x128xf32, #tpu.memory_space<vmem_shared>> -> memref<5120x128xf32, #tpu.memory_space<vmem_shared>>
        tpu.wait_indirect_dma semaphore(%run_scoped3A : memref<!tpu.dma_semaphore, #tpu.memory_space<semaphore_mem>>) src(%arg8 : memref<128x128xf32, #tpu.memory_space<vmem>>) dst(%dma_wait3A_72 : memref<5120x128xf32, #tpu.memory_space<vmem_shared>>)
        tpu.yield
      }) : () -> ()
      %add3A_44 = arith.constant 2 : i32
      %add3A_45 = arith.addi %add3A_36, %add3A_44 : i32
      %lt3A = arith.constant 160 : i32
      %lt3A_46 = arith.cmpi slt, %add3A_45, %lt3A : i32
      %convert_element_type3A = arith.extui %lt3A_46 : i1 to i32
      %cond3A = arith.constant 0 : i32
      %cond3A_47 = arith.cmpi ne, %convert_element_type3A, %cond3A : i32
      scf.if %cond3A_47 {
        %add3A_61 = arith.constant 2 : i32
        %add3A_62 = arith.addi %add3A_36, %add3A_61 : i32
        %dma_start3A_63 = arith.constant 0 : i32
        %dma_start3A_64 = tpu.memref_slice %arg6[%add3A_62, %dma_start3A_63] : memref<160x128xi32, #tpu.memory_space<vmem>> -> memref<1x128xi32, #tpu.memory_space<vmem>>
        %dma_start3A_65 = tpu.memref_squeeze %dma_start3A_64 : memref<1x128xi32, #tpu.memory_space<vmem>> -> memref<128xi32, #tpu.memory_space<vmem>>
        %dma_start3A_66 = arith.constant 0 : i32
        %dma_start3A_67 = arith.constant 0 : i32
        %dma_start3A_68 = tpu.memref_slice %arg2[%dma_start3A_66, %dma_start3A_67] : memref<10240x128xf32, #tpu.memory_space<hbm>> -> memref<10240x128xf32, #tpu.memory_space<hbm>>
        tpu.enqueue_indirect_dma source(%dma_start3A_68 : memref<10240x128xf32, #tpu.memory_space<hbm>>) target(%arg8 : memref<128x128xf32, #tpu.memory_space<vmem>>) offsets(%dma_start3A_65 : memref<128xi32, #tpu.memory_space<vmem>>) semaphore(%arg11 : memref<!tpu.dma_semaphore, #tpu.memory_space<semaphore_mem>>)
      } else {
      }
      %dma_wait3A_48 = arith.constant 0 : i32
      %dma_wait3A_49 = arith.constant 0 : i32
      %dma_wait3A_50 = tpu.memref_slice %arg2[%dma_wait3A_48, %dma_wait3A_49] : memref<10240x128xf32, #tpu.memory_space<hbm>> -> memref<128x128xf32, #tpu.memory_space<hbm>>
      %dma_wait3A_51 = arith.constant 0 : i32
      %dma_wait3A_52 = arith.constant 0 : i32
      %dma_wait3A_53 = tpu.memref_slice %arg2[%dma_wait3A_51, %dma_wait3A_52] : memref<10240x128xf32, #tpu.memory_space<hbm>> -> memref<128x128xf32, #tpu.memory_space<hbm>>
      tpu.wait_dma2 semaphore(%arg12 : memref<!tpu.dma_semaphore, #tpu.memory_space<semaphore_mem>>) src(%dma_wait3A_53 : memref<128x128xf32, #tpu.memory_space<hbm>>) dst(%arg9 : memref<128x128xf32, #tpu.memory_space<vmem>>)
      "tpu.region"() ({
        %run_scoped3A = tpu.sem_alloc : memref<!tpu.dma_semaphore, #tpu.memory_space<semaphore_mem>>
        %dma_start3A_61 = arith.constant 0 : i32
        %dma_start3A_62 = tpu.memref_slice %arg7[%add3A_38, %dma_start3A_61] : memref<160x128xi32, #tpu.memory_space<vmem>> -> memref<1x128xi32, #tpu.memory_space<vmem>>
        %dma_start3A_63 = tpu.memref_squeeze %dma_start3A_62 : memref<1x128xi32, #tpu.memory_space<vmem>> -> memref<128xi32, #tpu.memory_space<vmem>>
        %dma_start3A_64 = arith.constant 0 : i32
        %dma_start3A_65 = arith.constant 0 : i32
        %dma_start3A_66 = tpu.memref_slice %arg10[%dma_start3A_64, %dma_start3A_65] : memref<5120x128xf32, #tpu.memory_space<vmem_shared>> -> memref<5120x128xf32, #tpu.memory_space<vmem_shared>>
        tpu.enqueue_indirect_dma source(%arg9 : memref<128x128xf32, #tpu.memory_space<vmem>>) target(%dma_start3A_66 : memref<5120x128xf32, #tpu.memory_space<vmem_shared>>) offsets(%dma_start3A_63 : memref<128xi32, #tpu.memory_space<vmem>>) semaphore(%run_scoped3A : memref<!tpu.dma_semaphore, #tpu.memory_space<semaphore_mem>>) {add = true}
        %dma_wait3A_67 = arith.constant 0 : i32
        %dma_wait3A_68 = tpu.memref_slice %arg7[%add3A_38, %dma_wait3A_67] : memref<160x128xi32, #tpu.memory_space<vmem>> -> memref<1x128xi32, #tpu.memory_space<vmem>>
        %dma_wait3A_69 = tpu.memref_squeeze %dma_wait3A_68 : memref<1x128xi32, #tpu.memory_space<vmem>> -> memref<128xi32, #tpu.memory_space<vmem>>
        %dma_wait3A_70 = arith.constant 0 : i32
        %dma_wait3A_71 = arith.constant 0 : i32
        %dma_wait3A_72 = tpu.memref_slice %arg10[%dma_wait3A_70, %dma_wait3A_71] : memref<5120x128xf32, #tpu.memory_space<vmem_shared>> -> memref<5120x128xf32, #tpu.memory_space<vmem_shared>>
        tpu.wait_indirect_dma semaphore(%run_scoped3A : memref<!tpu.dma_semaphore, #tpu.memory_space<semaphore_mem>>) src(%arg9 : memref<128x128xf32, #tpu.memory_space<vmem>>) dst(%dma_wait3A_72 : memref<5120x128xf32, #tpu.memory_space<vmem_shared>>)
        tpu.yield
      }) : () -> ()
      %add3A_54 = arith.constant 2 : i32
      %add3A_55 = arith.addi %add3A_38, %add3A_54 : i32
      %lt3A_56 = arith.constant 160 : i32
      %lt3A_57 = arith.cmpi slt, %add3A_55, %lt3A_56 : i32
      %convert_element_type3A_58 = arith.extui %lt3A_57 : i1 to i32
      %cond3A_59 = arith.constant 0 : i32
      %cond3A_60 = arith.cmpi ne, %convert_element_type3A_58, %cond3A_59 : i32
      scf.if %cond3A_60 {
        %add3A_61 = arith.constant 2 : i32
        %add3A_62 = arith.addi %add3A_38, %add3A_61 : i32
        %dma_start3A_63 = arith.constant 0 : i32
        %dma_start3A_64 = tpu.memref_slice %arg6[%add3A_62, %dma_start3A_63] : memref<160x128xi32, #tpu.memory_space<vmem>> -> memref<1x128xi32, #tpu.memory_space<vmem>>
        %dma_start3A_65 = tpu.memref_squeeze %dma_start3A_64 : memref<1x128xi32, #tpu.memory_space<vmem>> -> memref<128xi32, #tpu.memory_space<vmem>>
        %dma_start3A_66 = arith.constant 0 : i32
        %dma_start3A_67 = arith.constant 0 : i32
        %dma_start3A_68 = tpu.memref_slice %arg2[%dma_start3A_66, %dma_start3A_67] : memref<10240x128xf32, #tpu.memory_space<hbm>> -> memref<10240x128xf32, #tpu.memory_space<hbm>>
        tpu.enqueue_indirect_dma source(%dma_start3A_68 : memref<10240x128xf32, #tpu.memory_space<hbm>>) target(%arg9 : memref<128x128xf32, #tpu.memory_space<vmem>>) offsets(%dma_start3A_65 : memref<128xi32, #tpu.memory_space<vmem>>) semaphore(%arg12 : memref<!tpu.dma_semaphore, #tpu.memory_space<semaphore_mem>>)
      } else {
      }
    }
    %scan3A_26 = arith.constant 80 : i32
    %barrier3A_27 = arith.constant 0 : index
    tpu.barrier barrier_id(%barrier3A_27)
    %mul3A_28 = arith.constant 320 : i32
    %mul3A_29 = arith.muli %arg1, %mul3A_28 : i32
    %mul3A_30 = arith.constant 320 : i32
    %mul3A_31 = arith.muli %arg1, %mul3A_30 : i32
    "tpu.region"() ({
      %run_scoped3A = tpu.sem_alloc : memref<!tpu.dma_semaphore, #tpu.memory_space<semaphore_mem>>
      %dma_start3A_32 = arith.constant 0 : i32
      %dma_start3A_33 = tpu.memref_slice %arg5[%arg0, %mul3A_31, %dma_start3A_32] : memref<2x5120x128xf32, #tpu.memory_space<hbm>> -> memref<1x320x128xf32, #tpu.memory_space<hbm>>
      %dma_start3A_34 = tpu.memref_squeeze %dma_start3A_33 : memref<1x320x128xf32, #tpu.memory_space<hbm>> -> memref<320x128xf32, #tpu.memory_space<hbm>>
      %dma_start3A_35 = arith.constant 0 : i32
      %dma_start3A_36 = tpu.memref_slice %arg10[%mul3A_29, %dma_start3A_35] : memref<5120x128xf32, #tpu.memory_space<vmem_shared>> -> memref<320x128xf32, #tpu.memory_space<vmem_shared>>
      tpu.enqueue_dma source(%dma_start3A_36 : memref<320x128xf32, #tpu.memory_space<vmem_shared>>) target(%dma_start3A_34 : memref<320x128xf32, #tpu.memory_space<hbm>>) target_semaphore(%run_scoped3A : memref<!tpu.dma_semaphore, #tpu.memory_space<semaphore_mem>>)
      %dma_wait3A = arith.constant 0 : i32
      %dma_wait3A_37 = tpu.memref_slice %arg5[%arg0, %mul3A_31, %dma_wait3A] : memref<2x5120x128xf32, #tpu.memory_space<hbm>> -> memref<1x320x128xf32, #tpu.memory_space<hbm>>
      %dma_wait3A_38 = tpu.memref_squeeze %dma_wait3A_37 : memref<1x320x128xf32, #tpu.memory_space<hbm>> -> memref<320x128xf32, #tpu.memory_space<hbm>>
      %dma_wait3A_39 = arith.constant 0 : i32
      %dma_wait3A_40 = tpu.memref_slice %arg10[%mul3A_29, %dma_wait3A_39] : memref<5120x128xf32, #tpu.memory_space<vmem_shared>> -> memref<320x128xf32, #tpu.memory_space<vmem_shared>>
      tpu.wait_dma2 semaphore(%run_scoped3A : memref<!tpu.dma_semaphore, #tpu.memory_space<semaphore_mem>>) src(%dma_wait3A_40 : memref<320x128xf32, #tpu.memory_space<vmem_shared>>) dst(%dma_wait3A_38 : memref<320x128xf32, #tpu.memory_space<hbm>>)
      tpu.yield
    }) : () -> ()
    return
  }
}

module attributes {stable_mosaic.version = 14 : i64} {
  func.func @body(%arg0: memref<10240x128xf32, #tpu.memory_space<vmem>>, %arg1: memref<128x128xf32, #tpu.memory_space<vmem>>, %arg2: memref<10240x128xf32, #tpu.memory_space<vmem>>) attributes {dimension_semantics = [], scalar_prefetch = 0 : i64, scratch_operands = 0 : i64, tpu.core_type = #tpu.core_type<tc>} {
    %get3A = arith.constant 0 : index
    %get3A_0 = arith.constant 0 : index
    %get3A_1 = vector.load %arg0[%get3A, %get3A_0] : memref<10240x128xf32, #tpu.memory_space<vmem>>, vector<10240x128xf32>
    %get3A_2 = arith.constant 0 : index
    %get3A_3 = arith.constant 0 : index
    %get3A_4 = vector.load %arg1[%get3A_2, %get3A_3] : memref<128x128xf32, #tpu.memory_space<vmem>>, vector<128x128xf32>
    %dot_general3A = arith.constant dense<0.000000e+00> : vector<10240x128xf32>
    %dot_general3A_5 = tpu.matmul %get3A_1, %get3A_4, %dot_general3A {dimension_numbers = #tpu.dot_dimension_numbers<[1], [0], [0], [1], [0, 0, 1, 1], [], []>, transpose_lhs_hint = false} : vector<10240x128xf32>, vector<128x128xf32>, vector<10240x128xf32> -> vector<10240x128xf32>
    %swap3A = arith.constant 0 : index
    %swap3A_6 = arith.constant 0 : index
    %swap3A_7 = vector.load %arg2[%swap3A, %swap3A_6] : memref<10240x128xf32, #tpu.memory_space<vmem>>, vector<10240x128xf32>
    tpu.vector_store %arg2[%swap3A, %swap3A_6], %dot_general3A_5 {strides = array<i32>} : memref<10240x128xf32, #tpu.memory_space<vmem>>, vector<10240x128xf32>,
    return
  }
}

module attributes {stable_mosaic.version = 14 : i64} {
  func.func @body(%arg0: memref<2x4x640x128xi32, #tpu.memory_space<vmem>>, %arg1: memref<10240x1xf32, #tpu.memory_space<vmem>>) attributes {dimension_semantics = [], scalar_prefetch = 0 : i64, scratch_operands = 0 : i64, tpu.core_type = #tpu.core_type<tc>} {
    %get3A = arith.constant 0 : index
    %get3A_0 = arith.constant 0 : index
    %get3A_1 = arith.constant 0 : index
    %get3A_2 = arith.constant 0 : index
    %get3A_3 = vector.load %arg0[%get3A, %get3A_0, %get3A_1, %get3A_2] : memref<2x4x640x128xi32, #tpu.memory_space<vmem>>, vector<2x4x640x128xi32>
    %and3A = arith.constant 65535 : i32
    %and3A_4 = vector.broadcast %and3A : i32 to vector<2x4x640x128xi32>
    %and3A_5 = arith.andi %get3A_3, %and3A_4 : vector<2x4x640x128xi32>
    %reduce_sum3A = arith.constant dense<0> : vector<640x128xi32>
    %reduce_sum3A_6 = vector.multi_reduction <add>, %and3A_5, %reduce_sum3A [0, 1] : vector<2x4x640x128xi32> to vector<640x128xi32>
    %shift_right_arithmetic3A = arith.constant 16 : i32
    %shift_right_arithmetic3A_7 = vector.broadcast %shift_right_arithmetic3A : i32 to vector<2x4x640x128xi32>
    %shift_right_arithmetic3A_8 = arith.shrsi %get3A_3, %shift_right_arithmetic3A_7 : vector<2x4x640x128xi32>
    %reduce_sum3A_9 = arith.constant dense<0> : vector<640x128xi32>
    %reduce_sum3A_10 = vector.multi_reduction <add>, %shift_right_arithmetic3A_8, %reduce_sum3A_9 [0, 1] : vector<2x4x640x128xi32> to vector<640x128xi32>
    %reshape3A = vector.shape_cast %reduce_sum3A_6 : vector<640x128xi32> to vector<640x8x16xi32>
    %reduce_sum3A_11 = arith.constant dense<0> : vector<640x8xi32>
    %reduce_sum3A_12 = vector.multi_reduction <add>, %reshape3A, %reduce_sum3A_11 [2] : vector<640x8x16xi32> to vector<640x8xi32>
    %reshape3A_13 = vector.shape_cast %reduce_sum3A_12 : vector<640x8xi32> to vector<5120x1xi32>
    %convert_element_type3A = arith.sitofp %reshape3A_13 : vector<5120x1xi32> to vector<5120x1xf32>
    %add3A = arith.constant 1.000000e+00 : f32
    %add3A_14 = vector.broadcast %add3A : f32 to vector<5120x1xf32>
    %add3A_15 = arith.addf %convert_element_type3A, %add3A_14 : vector<5120x1xf32>
    %rsqrt3A = math.rsqrt %add3A_15 : vector<5120x1xf32>
    %swap3A = arith.constant 0 : index
    %swap3A_16 = arith.constant 0 : index
    %swap3A_17 = vector.load %arg1[%swap3A, %swap3A_16] : memref<10240x1xf32, #tpu.memory_space<vmem>>, vector<5120x1xf32>
    tpu.vector_store %arg1[%swap3A, %swap3A_16], %rsqrt3A {strides = array<i32>} : memref<10240x1xf32, #tpu.memory_space<vmem>>, vector<5120x1xf32>,
    %reshape3A_18 = vector.shape_cast %reduce_sum3A_10 : vector<640x128xi32> to vector<640x8x16xi32>
    %reduce_sum3A_19 = arith.constant dense<0> : vector<640x8xi32>
    %reduce_sum3A_20 = vector.multi_reduction <add>, %reshape3A_18, %reduce_sum3A_19 [2] : vector<640x8x16xi32> to vector<640x8xi32>
    %reshape3A_21 = vector.shape_cast %reduce_sum3A_20 : vector<640x8xi32> to vector<5120x1xi32>
    %convert_element_type3A_22 = arith.sitofp %reshape3A_21 : vector<5120x1xi32> to vector<5120x1xf32>
    %add3A_23 = arith.constant 1.000000e+00 : f32
    %add3A_24 = vector.broadcast %add3A_23 : f32 to vector<5120x1xf32>
    %add3A_25 = arith.addf %convert_element_type3A_22, %add3A_24 : vector<5120x1xf32>
    %rsqrt3A_26 = math.rsqrt %add3A_25 : vector<5120x1xf32>
    %swap3A_27 = arith.constant 5120 : index
    %swap3A_28 = arith.constant 0 : index
    %swap3A_29 = vector.load %arg1[%swap3A_27, %swap3A_28] : memref<10240x1xf32, #tpu.memory_space<vmem>>, vector<5120x1xf32>
    tpu.vector_store %arg1[%swap3A_27, %swap3A_28], %rsqrt3A_26 {strides = array<i32>} : memref<10240x1xf32, #tpu.memory_space<vmem>>, vector<5120x1xf32>,
    return
  }
}

module attributes {stable_mosaic.version = 14 : i64} {
  func.func @body(%arg0: memref<10240x128xf32, #tpu.memory_space<vmem>>, %arg1: memref<10240x1xf32, #tpu.memory_space<vmem>>, %arg2: memref<10240x128xf32, #tpu.memory_space<vmem>>) attributes {dimension_semantics = [], scalar_prefetch = 0 : i64, scratch_operands = 0 : i64, tpu.core_type = #tpu.core_type<tc>} {
    %get3A = arith.constant 0 : index
    %get3A_0 = arith.constant 0 : index
    %get3A_1 = vector.load %arg1[%get3A, %get3A_0] : memref<10240x1xf32, #tpu.memory_space<vmem>>, vector<10240x1xf32>
    %get3A_2 = arith.constant 0 : index
    %get3A_3 = arith.constant 0 : index
    %get3A_4 = vector.load %arg0[%get3A_2, %get3A_3] : memref<10240x128xf32, #tpu.memory_space<vmem>>, vector<10240x128xf32>
    %mul3A = vector.broadcast %get3A_1 : vector<10240x1xf32> to vector<10240x128xf32>
    %mul3A_5 = arith.mulf %mul3A, %get3A_4 : vector<10240x128xf32>
    %swap3A = arith.constant 0 : index
    %swap3A_6 = arith.constant 0 : index
    %swap3A_7 = vector.load %arg2[%swap3A, %swap3A_6] : memref<10240x128xf32, #tpu.memory_space<vmem>>, vector<10240x128xf32>
    tpu.vector_store %arg2[%swap3A, %swap3A_6], %mul3A_5 {strides = array<i32>} : memref<10240x128xf32, #tpu.memory_space<vmem>>, vector<10240x128xf32>,
    return
  }
}

module attributes {stable_mosaic.version = 14 : i64} {
  func.func @body(%arg0: memref<2x5120x128xf32, #tpu.memory_space<vmem>>, %arg1: memref<10240x128xf32, #tpu.memory_space<vmem>>, %arg2: memref<10240x1xf32, #tpu.memory_space<vmem>>, %arg3: memref<1x128xf32, #tpu.memory_space<vmem>>, %arg4: memref<128x128xf32, #tpu.memory_space<vmem>>, %arg5: memref<10240x128xf32, #tpu.memory_space<vmem>>) attributes {dimension_semantics = [], scalar_prefetch = 0 : i64, scratch_operands = 0 : i64, tpu.core_type = #tpu.core_type<tc>} {
    %get3A = arith.constant 0 : index
    %get3A_0 = arith.constant 0 : index
    %get3A_1 = arith.constant 0 : index
    %get3A_2 = vector.load %arg0[%get3A, %get3A_0, %get3A_1] : memref<2x5120x128xf32, #tpu.memory_space<vmem>>, vector<1x5120x128xf32>
    %get3A_3 = vector.shape_cast %get3A_2 : vector<1x5120x128xf32> to vector<5120x128xf32>
    %get3A_4 = arith.constant 1 : index
    %get3A_5 = arith.constant 0 : index
    %get3A_6 = arith.constant 0 : index
    %get3A_7 = vector.load %arg0[%get3A_4, %get3A_5, %get3A_6] : memref<2x5120x128xf32, #tpu.memory_space<vmem>>, vector<1x5120x128xf32>
    %get3A_8 = vector.shape_cast %get3A_7 : vector<1x5120x128xf32> to vector<5120x128xf32>
    %concatenate3A = tpu.concatenate %get3A_3, %get3A_8 in 0 : vector<5120x128xf32>, vector<5120x128xf32> -> vector<10240x128xf32>
    %get3A_9 = arith.constant 0 : index
    %get3A_10 = arith.constant 0 : index
    %get3A_11 = vector.load %arg2[%get3A_9, %get3A_10] : memref<10240x1xf32, #tpu.memory_space<vmem>>, vector<10240x1xf32>
    %mul3A = vector.broadcast %get3A_11 : vector<10240x1xf32> to vector<10240x128xf32>
    %mul3A_12 = arith.mulf %mul3A, %concatenate3A : vector<10240x128xf32>
    %get3A_13 = arith.constant 0 : index
    %get3A_14 = arith.constant 0 : index
    %get3A_15 = vector.load %arg3[%get3A_13, %get3A_14] : memref<1x128xf32, #tpu.memory_space<vmem>>, vector<1x128xf32>
    %add3A = vector.broadcast %get3A_15 : vector<1x128xf32> to vector<10240x128xf32>
    %add3A_16 = arith.addf %mul3A_12, %add3A : vector<10240x128xf32>
    %max3A = arith.constant 0.000000e+00 : f32
    %max3A_17 = vector.broadcast %max3A : f32 to vector<10240x128xf32>
    %max3A_18 = arith.maximumf %add3A_16, %max3A_17 : vector<10240x128xf32>
    %iota3A = tpu.iota {dimensions = array<i32: 0>} : vector<10240x1xi32>
    %jit3A = arith.constant 5120 : i32
    %eq3A = arith.constant 0 : i32
    %eq3A_19 = arith.cmpi eq, %jit3A, %eq3A : i32
    %jit3A_20 = arith.constant 1 : i32
    %select_n3A = arith.select %eq3A_19, %jit3A_20, %jit3A : i32
    %rem3A = vector.broadcast %select_n3A : i32 to vector<10240x1xi32>
    %rem3A_21 = arith.remsi %iota3A, %rem3A : vector<10240x1xi32>
    %ne3A = arith.constant 0 : i32
    %ne3A_22 = vector.broadcast %ne3A : i32 to vector<10240x1xi32>
    %ne3A_23 = arith.cmpi ne, %rem3A_21, %ne3A_22 : vector<10240x1xi32>
    %lt3A = arith.constant 0 : i32
    %lt3A_24 = vector.broadcast %lt3A : i32 to vector<10240x1xi32>
    %lt3A_25 = arith.cmpi slt, %rem3A_21, %lt3A_24 : vector<10240x1xi32>
    %lt3A_26 = arith.constant 0 : i32
    %lt3A_27 = arith.cmpi slt, %select_n3A, %lt3A_26 : i32
    %ne3A_28 = vector.broadcast %lt3A_27 : i1 to vector<10240x1xi1>
    %ne3A_29 = vector.broadcast %ne3A_28 : vector<10240x1xi1> to vector<10240x1xi1>
    %ne3A_30 = arith.xori %lt3A_25, %ne3A_29 : vector<10240x1xi1>
    %and3A = arith.andi %ne3A_30, %ne3A_23 : vector<10240x1xi1>
    %add3A_31 = vector.broadcast %select_n3A : i32 to vector<10240x1xi32>
    %add3A_32 = arith.addi %rem3A_21, %add3A_31 : vector<10240x1xi32>
    %select_n3A_33 = arith.select %and3A, %add3A_32, %rem3A_21 : vector<10240x1xi1>, vector<10240x1xi32>
    %lt3A_34 = arith.constant 5000 : i32
    %lt3A_35 = vector.broadcast %lt3A_34 : i32 to vector<10240x1xi32>
    %lt3A_36 = arith.cmpi slt, %select_n3A_33, %lt3A_35 : vector<10240x1xi32>
    %jit3A_37 = arith.constant 0.000000e+00 : f32
    %broadcast_in_dim3A = vector.shape_cast %lt3A_36 : vector<10240x1xi1> to vector<10240x1xi1>
    %broadcast_in_dim3A_38 = vector.broadcast %broadcast_in_dim3A : vector<10240x1xi1> to vector<10240x128xi1>
    %broadcast_in_dim3A_39 = vector.broadcast %jit3A_37 : f32 to vector<10240x128xf32>
    %select_n3A_40 = arith.select %broadcast_in_dim3A_38, %max3A_18, %broadcast_in_dim3A_39 : vector<10240x128xi1>, vector<10240x128xf32>
    %get3A_41 = arith.constant 0 : index
    %get3A_42 = arith.constant 0 : index
    %get3A_43 = vector.load %arg2[%get3A_41, %get3A_42] : memref<10240x1xf32, #tpu.memory_space<vmem>>, vector<10240x1xf32>
    %get3A_44 = arith.constant 0 : index
    %get3A_45 = arith.constant 0 : index
    %get3A_46 = vector.load %arg4[%get3A_44, %get3A_45] : memref<128x128xf32, #tpu.memory_space<vmem>>, vector<128x128xf32>
    %dot_general3A = arith.constant dense<0.000000e+00> : vector<10240x128xf32>
    %dot_general3A_47 = tpu.matmul %select_n3A_40, %get3A_46, %dot_general3A {dimension_numbers = #tpu.dot_dimension_numbers<[1], [0], [0], [1], [0, 0, 1, 1], [], []>, transpose_lhs_hint = false} : vector<10240x128xf32>, vector<128x128xf32>, vector<10240x128xf32> -> vector<10240x128xf32>
    %mul3A_48 = vector.broadcast %get3A_43 : vector<10240x1xf32> to vector<10240x128xf32>
    %mul3A_49 = arith.mulf %mul3A_48, %dot_general3A_47 : vector<10240x128xf32>
    %swap3A = arith.constant 0 : index
    %swap3A_50 = arith.constant 0 : index
    %swap3A_51 = vector.load %arg5[%swap3A, %swap3A_50] : memref<10240x128xf32, #tpu.memory_space<vmem>>, vector<10240x128xf32>
    tpu.vector_store %arg5[%swap3A, %swap3A_50], %mul3A_49 {strides = array<i32>} : memref<10240x128xf32, #tpu.memory_space<vmem>>, vector<10240x128xf32>,
    return
  }
}

module attributes {stable_mosaic.version = 14 : i64} {
  func.func @body(%arg0: memref<2x5120x128xf32, #tpu.memory_space<vmem>>, %arg1: memref<10240x128xf32, #tpu.memory_space<vmem>>, %arg2: memref<10240x1xf32, #tpu.memory_space<vmem>>, %arg3: memref<1x128xf32, #tpu.memory_space<vmem>>, %arg4: memref<1x10240xi32, #tpu.memory_space<vmem>>, %arg5: memref<128x128xf32, #tpu.memory_space<vmem>>, %arg6: memref<1x128xf32, #tpu.memory_space<vmem>>, %arg7: memref<128x128xf32, #tpu.memory_space<vmem>>) attributes {dimension_semantics = [], scalar_prefetch = 0 : i64, scratch_operands = 0 : i64, tpu.core_type = #tpu.core_type<tc>} {
    %get3A = arith.constant 0 : index
    %get3A_0 = arith.constant 0 : index
    %get3A_1 = arith.constant 0 : index
    %get3A_2 = vector.load %arg0[%get3A, %get3A_0, %get3A_1] : memref<2x5120x128xf32, #tpu.memory_space<vmem>>, vector<1x5120x128xf32>
    %get3A_3 = vector.shape_cast %get3A_2 : vector<1x5120x128xf32> to vector<5120x128xf32>
    %get3A_4 = arith.constant 1 : index
    %get3A_5 = arith.constant 0 : index
    %get3A_6 = arith.constant 0 : index
    %get3A_7 = vector.load %arg0[%get3A_4, %get3A_5, %get3A_6] : memref<2x5120x128xf32, #tpu.memory_space<vmem>>, vector<1x5120x128xf32>
    %get3A_8 = vector.shape_cast %get3A_7 : vector<1x5120x128xf32> to vector<5120x128xf32>
    %concatenate3A = tpu.concatenate %get3A_3, %get3A_8 in 0 : vector<5120x128xf32>, vector<5120x128xf32> -> vector<10240x128xf32>
    %get3A_9 = arith.constant 0 : index
    %get3A_10 = arith.constant 0 : index
    %get3A_11 = vector.load %arg2[%get3A_9, %get3A_10] : memref<10240x1xf32, #tpu.memory_space<vmem>>, vector<10240x1xf32>
    %mul3A = vector.broadcast %get3A_11 : vector<10240x1xf32> to vector<10240x128xf32>
    %mul3A_12 = arith.mulf %mul3A, %concatenate3A : vector<10240x128xf32>
    %get3A_13 = arith.constant 0 : index
    %get3A_14 = arith.constant 0 : index
    %get3A_15 = vector.load %arg3[%get3A_13, %get3A_14] : memref<1x128xf32, #tpu.memory_space<vmem>>, vector<1x128xf32>
    %add3A = vector.broadcast %get3A_15 : vector<1x128xf32> to vector<10240x128xf32>
    %add3A_16 = arith.addf %mul3A_12, %add3A : vector<10240x128xf32>
    %max3A = arith.constant 0.000000e+00 : f32
    %max3A_17 = vector.broadcast %max3A : f32 to vector<10240x128xf32>
    %max3A_18 = arith.maximumf %add3A_16, %max3A_17 : vector<10240x128xf32>
    %iota3A = tpu.iota {dimensions = array<i32: 0>} : vector<10240x1xi32>
    %jit3A = arith.constant 5120 : i32
    %eq3A = arith.constant 0 : i32
    %eq3A_19 = arith.cmpi eq, %jit3A, %eq3A : i32
    %jit3A_20 = arith.constant 1 : i32
    %select_n3A = arith.select %eq3A_19, %jit3A_20, %jit3A : i32
    %rem3A = vector.broadcast %select_n3A : i32 to vector<10240x1xi32>
    %rem3A_21 = arith.remsi %iota3A, %rem3A : vector<10240x1xi32>
    %ne3A = arith.constant 0 : i32
    %ne3A_22 = vector.broadcast %ne3A : i32 to vector<10240x1xi32>
    %ne3A_23 = arith.cmpi ne, %rem3A_21, %ne3A_22 : vector<10240x1xi32>
    %lt3A = arith.constant 0 : i32
    %lt3A_24 = vector.broadcast %lt3A : i32 to vector<10240x1xi32>
    %lt3A_25 = arith.cmpi slt, %rem3A_21, %lt3A_24 : vector<10240x1xi32>
    %lt3A_26 = arith.constant 0 : i32
    %lt3A_27 = arith.cmpi slt, %select_n3A, %lt3A_26 : i32
    %ne3A_28 = vector.broadcast %lt3A_27 : i1 to vector<10240x1xi1>
    %ne3A_29 = vector.broadcast %ne3A_28 : vector<10240x1xi1> to vector<10240x1xi1>
    %ne3A_30 = arith.xori %lt3A_25, %ne3A_29 : vector<10240x1xi1>
    %and3A = arith.andi %ne3A_30, %ne3A_23 : vector<10240x1xi1>
    %add3A_31 = vector.broadcast %select_n3A : i32 to vector<10240x1xi32>
    %add3A_32 = arith.addi %rem3A_21, %add3A_31 : vector<10240x1xi32>
    %select_n3A_33 = arith.select %and3A, %add3A_32, %rem3A_21 : vector<10240x1xi1>, vector<10240x1xi32>
    %lt3A_34 = arith.constant 5000 : i32
    %lt3A_35 = vector.broadcast %lt3A_34 : i32 to vector<10240x1xi32>
    %lt3A_36 = arith.cmpi slt, %select_n3A_33, %lt3A_35 : vector<10240x1xi32>
    %jit3A_37 = arith.constant 0.000000e+00 : f32
    %broadcast_in_dim3A = vector.shape_cast %lt3A_36 : vector<10240x1xi1> to vector<10240x1xi1>
    %broadcast_in_dim3A_38 = vector.broadcast %broadcast_in_dim3A : vector<10240x1xi1> to vector<10240x128xi1>
    %broadcast_in_dim3A_39 = vector.broadcast %jit3A_37 : f32 to vector<10240x128xf32>
    %select_n3A_40 = arith.select %broadcast_in_dim3A_38, %max3A_18, %broadcast_in_dim3A_39 : vector<10240x128xi1>, vector<10240x128xf32>
    %iota3A_41 = tpu.iota {dimensions = array<i32: 0>} : vector<128x10240xi32>
    %get3A_42 = arith.constant 0 : index
    %get3A_43 = arith.constant 0 : index
    %get3A_44 = vector.load %arg4[%get3A_42, %get3A_43] : memref<1x10240xi32, #tpu.memory_space<vmem>>, vector<1x10240xi32>
    %eq3A_45 = vector.broadcast %get3A_44 : vector<1x10240xi32> to vector<128x10240xi32>
    %eq3A_46 = arith.cmpi eq, %iota3A_41, %eq3A_45 : vector<128x10240xi32>
    %convert_element_type3A = arith.extui %eq3A_46 : vector<128x10240xi1> to vector<128x10240xi32>
    %convert_element_type3A_47 = arith.sitofp %convert_element_type3A : vector<128x10240xi32> to vector<128x10240xf32>
    %dot_general3A = arith.constant dense<0.000000e+00> : vector<128x128xf32>
    %dot_general3A_48 = tpu.matmul %convert_element_type3A_47, %select_n3A_40, %dot_general3A {dimension_numbers = #tpu.dot_dimension_numbers<[1], [0], [0], [1], [0, 0, 1, 1], [], []>, transpose_lhs_hint = false} : vector<128x10240xf32>, vector<10240x128xf32>, vector<128x128xf32> -> vector<128x128xf32>
    %reduce_sum3A = arith.constant dense<0.000000e+00> : vector<128xf32>
    %reduce_sum3A_49 = vector.multi_reduction <add>, %convert_element_type3A_47, %reduce_sum3A [1] : vector<128x10240xf32> to vector<128xf32>
    %broadcast_in_dim3A_50 = vector.shape_cast %reduce_sum3A_49 : vector<128xf32> to vector<128x1xf32>
    %max3A_51 = arith.constant 1.000000e+00 : f32
    %max3A_52 = vector.broadcast %max3A_51 : f32 to vector<128x1xf32>
    %max3A_53 = arith.maximumf %broadcast_in_dim3A_50, %max3A_52 : vector<128x1xf32>
    %div3A = vector.broadcast %max3A_53 : vector<128x1xf32> to vector<128x128xf32>
    %div3A_54 = arith.divf %dot_general3A_48, %div3A : vector<128x128xf32>
    %get3A_55 = arith.constant 0 : index
    %get3A_56 = arith.constant 0 : index
    %get3A_57 = vector.load %arg5[%get3A_55, %get3A_56] : memref<128x128xf32, #tpu.memory_space<vmem>>, vector<128x128xf32>
    %dot_general3A_58 = arith.constant dense<0.000000e+00> : vector<128x128xf32>
    %dot_general3A_59 = tpu.matmul %div3A_54, %get3A_57, %dot_general3A_58 {dimension_numbers = #tpu.dot_dimension_numbers<[1], [0], [0], [1], [0, 0, 1, 1], [], []>, transpose_lhs_hint = false} : vector<128x128xf32>, vector<128x128xf32>, vector<128x128xf32> -> vector<128x128xf32>
    %get3A_60 = arith.constant 0 : index
    %get3A_61 = arith.constant 0 : index
    %get3A_62 = vector.load %arg6[%get3A_60, %get3A_61] : memref<1x128xf32, #tpu.memory_space<vmem>>, vector<1x128xf32>
    %add3A_63 = vector.broadcast %get3A_62 : vector<1x128xf32> to vector<128x128xf32>
    %add3A_64 = arith.addf %dot_general3A_59, %add3A_63 : vector<128x128xf32>
    %swap3A = arith.constant 0 : index
    %swap3A_65 = arith.constant 0 : index
    %swap3A_66 = vector.load %arg7[%swap3A, %swap3A_65] : memref<128x128xf32, #tpu.memory_space<vmem>>, vector<128x128xf32>
    tpu.vector_store %arg7[%swap3A, %swap3A_65], %add3A_64 {strides = array<i32>} : memref<128x128xf32, #tpu.memory_space<vmem>>, vector<128x128xf32>,
    return
  }
}

</mosaic_0001>

<sc_bundles>
// kernel: kernel.10.cloned.1.call-start
scs
__scs_entry_jumppad:
0x0: {  	(pc) =	sbr.rel $0x88, $3  }
0x1: {  	(tag) =	ssettag $0x0;
	lr =	simm.s32 $0x1  }
0x2: {  	[smem:$0x3F98] =	sst lr;
	_ =	strace $0xD0000000  }
0x3: {  	_ = 	snop  }
0x4: {  	_ = 	snop  }
0x5: {  	_ = 	snop  }
0x6: {  	_ = 	snop  }
0x7: {  	_ = 	snop  }
__scs_overlays_trampoline_lowered:
0x8: {  	[smem:$0x3FA7] =	sst s0  }
0x9: {  	[smem:$0x3FA8] =	sst s1  }
0xa: {  	[smem:$0x3FA9] =	sst s2  }
0xb: {  	[smem:$0x3FAA] =	sst s3  }
0xc: {  	[smem:$0x3FAB] =	sst s4  }
0xd: {  	[smem:$0x3FAC] =	sst s5  }
0xe: {  	[smem:$0x3FAD] =	sst s6  }
0xf: {  	[smem:$0x3FAE] =	sst s7  }
0x10: {  	[smem:$0x3FAF] =	sst s8  }
0x11: {  	[smem:$0x3FB0] =	sst s9;
	s0 =	simm.s32 @!p0 $0x0  }
0x12: {  	s1 =	sld [smem:$0x3F96];
	s0 =	simm.s32 @p0 $0x1  }
0x13: {  	[smem:$0x3FB1] =	sst s0;
	s0 =	simm.s32 @!p1 $0x0  }
0x14: {  	s2 =	sld [smem:$0x3F95];
	s0 =	simm.s32 @p1 $0x1  }
0x15: {  	[smem:$0x3FB2] =	sst s0;
	s0 =	simm.s32 @!p2 $0x0  }
0x16: {  	s3 =	sld [smem:$0x3FDB];
	s0 =	simm.s32 @p2 $0x1  }
0x17: {  	s4 =	simm.s32 $0x1BF5;
	[smem:$0x3FB4] =	sst s0  }
0x18: {  	s0 =	sld [smem:$0x3F97];
	_ =	swait.ge [sflag:s4], $0x0  }
0x19: {  	s7 =	sld [smem:$0x3F98]  }
0x1a: {  	s8 =	sadd.s32 $0xFFFFE003, lr  }
0x1b: {  	s9 =	sadd.s32 $0xFFFFFEF7, lr;
	s5 =	simm.s32 $0xFFFFFFFF;
	p2 =	slt.u32 s8, $0xFFFFF086  }
0x1c: {  	p1 =	slt.u32 s9, $0xF7A;
	s5 =	simm.s32 @!p2 $0x0  }
0x1d: {  	s5 =	simm.s32 @p1 $0x1;
	p0 =	seq.s32 s7, s2  }
0x1e: {  	s7 =	smul.u32 @!p0 $0xF7A, s2;
	p2 =	seq.s32 @!p0 s5, $0x0  }
0x1f: {  	s9 =	smul.u32 $0xF7A, s1;
	s8 =	simm.s32 @!p0 $0x1BF5;
	p2 =	por !p2, p0  }
0x20: {  	[sflag:s8] =	ssyncset.s32 @!p0 $0xFFFFF086;
	s6 =	sadd.s32 @!p0 s3, s7;
	s7 =	simm.s32 @!p0 $0x108  }
0x21: {  	s3 =	sadd.s32 s3, s9;
	s6 =	sadd.s32 @!p0 $0x88, s6;
	s7 =	simm.s32 @p2 $0x1082  }
0x22: {  	[simem:s7], [sflag:s8] =	dma.local @!p0 [hbm:s6], $0xF7A  }
0x23: {  	s9 =	sor.u32 $0xD0000000, s2;
	s6 =	simm.s32 $0x108;
	_ =	swait.ge @!p0 [sflag:s8], $0x0  }
0x24: {  	s3 =	sadd.s32 $0x88, s3;
	s6 =	simm.s32 @!p1 $0x1082;
	[sflag:s4] =	ssyncset.s32 $0xFFFFF086  }
0x25: {  	[simem:s6], [sflag:s4] =	dma.local [hbm:s3], $0xF7A  }
0x26: {  	[smem:$0x3F98] =	sst s1;
	(tag) =	ssettag s2;
	_ =	strace s9  }
0x27: {  	s1 =	sld [smem:$0x3FA8]  }
0x28: {  	s2 =	sld [smem:$0x3FA9]  }
0x29: {  	s4 =	sld [smem:$0x3FAB]  }
0x2a: {  	p0 =	seq.s32 s5, $0x0;
	s5 =	sld [smem:$0x3FAC]  }
0x2b: {  	s6 =	sld [smem:$0x3FAD]  }
0x2c: {  	s7 =	sld [smem:$0x3FAE]  }
0x2d: {  	s3 =	simm.s32 $0x108;
	s8 =	sld [smem:$0x3FAF]  }
0x2e: {  	s3 =	simm.s32 @!p0 $0x1082;
	s9 =	sld [smem:$0x3FB0]  }
0x2f: {  	lr =	sadd.s32 s0, s3;
	s0 =	sld [smem:$0x3FA7]  }
0x30: {  	s3 =	sld [smem:$0x3FAA]  }
0x31: {  	[smem:$0x3FB3] =	sst s10  }
0x32: {  	s10 =	sld [smem:$0x3FB1];
	_ =	sdelay $0x3  }
0x33: {  	p0 =	seq.s32 s10, $0x1;
	s10 =	sld [smem:$0x3FB3];
	_ =	sdelay $0x3  }
0x34: {  	[smem:$0x3FB3] =	sst s10  }
0x35: {  	s10 =	sld [smem:$0x3FB2];
	_ =	sdelay $0x3  }
0x36: {  	p1 =	seq.s32 s10, $0x1;
	s10 =	sld [smem:$0x3FB3];
	_ =	sdelay $0x3  }
0x37: {  	[smem:$0x3FB3] =	sst s10  }
0x38: {  	s10 =	sld [smem:$0x3FB4]  }
0x39: {  	_ = 	snop;
	(pc) =	sbr.ind lr, $3  }
0x3a: {  	_ = 	snop  }
0x3b: {  	_ = 	snop  }
0x3c: {  	p2 =	seq.s32 s10, $0x1;
	s10 =	sld [smem:$0x3FB3]  }
0x3d: {  	_ =	shalt  }
0x3e: {  	_ =	shalt  }
0x3f: {  	_ =	shalt  }
0x40: {  	_ =	shalt  }
0x41: {  	_ =	shalt  }
0x42: {  	_ =	shalt  }
0x43: {  	_ =	shalt  }
0x44: {  	_ =	shalt  }
0x45: {  	_ =	shalt  }
0x46: {  	_ =	shalt  }
0x47: {  	_ =	shalt  }
0x48: {  	_ =	shalt  }
0x49: {  	_ =	shalt  }
0x4a: {  	_ =	shalt  }
0x4b: {  	_ =	shalt  }
0x4c: {  	_ =	shalt  }
0x4d: {  	_ =	shalt  }
0x4e: {  	_ =	shalt  }
0x4f: {  	_ =	shalt  }
0x50: {  	_ =	shalt  }
0x51: {  	_ =	shalt  }
0x52: {  	_ =	shalt  }
0x53: {  	_ =	shalt  }
0x54: {  	_ =	shalt  }
0x55: {  	_ =	shalt  }
0x56: {  	_ =	shalt  }
0x57: {  	_ =	shalt  }
0x58: {  	_ =	shalt  }
0x59: {  	_ =	shalt  }
0x5a: {  	_ =	shalt  }
0x5b: {  	_ =	shalt  }
0x5c: {  	_ =	shalt  }
0x5d: {  	_ =	shalt  }
0x5e: {  	_ =	shalt  }
0x5f: {  	_ =	shalt  }
0x60: {  	_ =	shalt  }
0x61: {  	_ =	shalt  }
0x62: {  	_ =	shalt  }
0x63: {  	_ =	shalt  }
0x64: {  	_ =	shalt  }
0x65: {  	_ =	shalt  }
0x66: {  	_ =	shalt  }
0x67: {  	_ =	shalt  }
0x68: {  	_ =	shalt  }
0x69: {  	_ =	shalt  }
0x6a: {  	_ =	shalt  }
0x6b: {  	_ =	shalt  }
0x6c: {  	_ =	shalt  }
0x6d: {  	_ =	shalt  }
0x6e: {  	_ =	shalt  }
0x6f: {  	_ =	shalt  }
0x70: {  	_ =	shalt  }
0x71: {  	_ =	shalt  }
0x72: {  	_ =	shalt  }
0x73: {  	_ =	shalt  }
0x74: {  	_ =	shalt  }
0x75: {  	_ =	shalt  }
0x76: {  	_ =	shalt  }
0x77: {  	_ =	shalt  }
0x78: {  	_ =	shalt  }
0x79: {  	_ =	shalt  }
0x7a: {  	_ =	shalt  }
0x7b: {  	_ =	shalt  }
0x7c: {  	_ =	shalt  }
0x7d: {  	_ =	shalt  }
0x7e: {  	_ =	shalt  }
0x7f: {  	_ =	shalt  }
0x80: {  	_ =	shalt  }
0x81: {  	_ =	shalt  }
0x82: {  	_ =	shalt  }
0x83: {  	_ =	shalt  }
0x84: {  	_ =	shalt  }
0x85: {  	_ =	shalt  }
0x86: {  	_ =	shalt  }
0x87: {  	_ =	shalt  }
.Lfunc_end0:
.L_simem_size_0:
called_computation_lowered:
.L_overlay_start_0:
0x88: {  	s2 =	sld [smem:$0x3FD9]  }
0x89: {  	s3 =	sld [smem:$0x3FFE];
	_ =	sdelay $0x1  }
0x8a: {  	s1 =	srdreg.scid  }
0x8b: {  	s0 =	sand.u32 $0x1, s1  }
0x8c: {  	s16 =	sshll.u32 s0, $0xA;
	s2 =	sadd.s32 s3, s2  }
0x8d: {  	s2 =	sadd.s32 s2, s16  }
0x8e: {  	[smem:$0x3FBF] =	sst s2  }
0x8f: {  	_ = 	snop  }
0x90: {  	(tm) =	ssettm $0x1  }
0x91: {  	s17 =	sld [smem:$0x3FFB];
	_ =	sdelay $0x3  }
0x92: {  	_ =	strace s17  }
0x93: {  	s2 =	sld [smem:$0x3FFC];
	_ =	sdelay $0x3  }
0x94: {  	_ =	strace s2  }
0x95: {  	s2 =	sld [smem:$0x3FFD];
	_ =	sdelay $0x3  }
0x96: {  	_ =	strace s2  }
0x97: {  	_ =	strace $0x8FFFFFFF  }
0x98: {  	s18 =	sld [smem:$0x3FDB];
	_ =	sdelay $0x1  }
0x99: {  	s19 =	simm.s32 $_scs_section_size  }
0x9a: {  	s4 =	simm.s32 $_size__tile_overlayer_lowered;
	s5 =	simm.s32 $_tile_overlayer_lowered  }
0x9b: {  	s22 =	simm.s32 $0x1BFF;
	s21 =	sshll.u32 s5, $0x1;
	s2 =	sadd.s32 s19, s18  }
0x9c: {  	s6 =	simm.s32 $0x0;
	s20 =	sshll.u32 s4, $0x1;
	s4 =	sadd.s32 s21, s2  }
0x9d: {  	[timem:s6], [sflag:s22] =	dma.local [hbm:s4], s20  }
0x9e: {  	_ =	swait.ge [sflag:s22], s20  }
0x9f: {  	s3 =	ssub.s32 $0x0, s20;
	[sflag:s22] =	ssyncset.done $0x0  }
0xa0: {  	[sflag:s22] =	ssyncadd.s32 s3;
	_ =	sdelay $0x1  }
0xa1: {  	s23 =	simm.s32 $0x1B8B  }
0xa2: {  	_ =	swait.ge [sflag:s23], $0x1  }
0xa3: {  	[sflag:s23] =	ssyncset.done $0x0  }
0xa4: {  	s25 =	simm.s32 $0x1B8E;
	s24 =	sld [smem:$0x3FFE];
	[sflag:s23] =	ssyncadd.s32 $0xFFFFFFFF  }
0xa5: {  	s26 =	simm.s32 $execute0_lowered;
	[smem:$0x3FD2] =	sst s25  }
0xa6: {  	s4 =	sshll.u32 s26, $0x1;
	_ =	strace $0x80000046;
	[dreg:$0x1] =	wrdreg $0xFFFFFFFF  }
0xa7: {  	s28 =	simm.s32 $_size_execute0_lowered;
	s2 =	sadd.s32 s2, s4;
	[dreg:$0x0] =	wrdreg $0x0  }
0xa8: {  	s4 =	sshll.u32 s28, $0x1;
	[dreg:$0x2] =	wrdreg s2  }
0xa9: {  	[dreg:$0x3] =	wrdreg s4  }
0xaa: {  	[dreg:$0x4] =	wrdreg $0xC0  }
0xab: {  	_ =	task [dreg:s6], $0x5FFFF  }
0xac: {  	[dreg:$0x1] =	wrdreg $0xFFFFFFFF  }
0xad: {  	[dreg:$0x0] =	wrdreg $0x60  }
0xae: {  	[dreg:$0x2] =	wrdreg s24  }
0xaf: {  	[dreg:$0x3] =	wrdreg $0x9  }
0xb0: {  	_ =	task.clear_ibuf [dreg:s6], $0x4FFFF;
	_ =	strace $0x90000046  }
0xb1: {  	s29 =	simm.s32 $0x9;
	_ =	strace $0x80000048  }
0xb2: {  	_ =	swait.ge [sflag:s29], $0x1  }
0xb3: {  	[sflag:s29] =	ssyncadd.s32 $0xFFFFFFFF  }
0xb4: {  	_ =	strace $0x90000048  }
0xb5: {  	_ =	sfence  }
0xb6: {  	s30 =	sld [smem:$0x0];
	_ =	sdelay $0x2  }
0xb7: {  	s31 =	sshll.u32 s1, $0xD;
	s1 =	sshrl.u32 s1, $0x2  }
0xb8: {  	s3 =	sand.u32 $0x4000, s31;
	s1 =	sadd.s32 s1, s30  }
0xb9: {  	s0 =	sor.u32 s3, s0;
	s1 =	sshll.u32 s1, $0x11  }
0xba: {  	s0 =	sor.u32 s1, s0  }
0xbb: {  	s0 =	sadd.s32 $0x8F2B, s0  }
0xbc: {  	[sflag:s0] =	ssyncadd.remote.s32 $0x1  }
0xbd: {  	_ =	sfence.sel $0xFFFF  }
0xbe: {  	[dreg:$0x0] =	wrdreg $0xFFFFFFFF;
	(pc) =	sbr.abs _section_cstart, $3  }
0xbf: {  	[dreg:$0x1] =	wrdreg $0xFFFFFFFF  }
0xc0: {  	_ =	task.clear_ibuf [dreg:s6], $0x2FFFF;
	_ =	strace $0x9FFFFFFF  }
0xc1: {  	(tm) =	ssettm $0x7FFFFFFF  }
tec
execute0_lowered:
.L_overlay_start_1:
0x0: {  	(tag) =	ssettag $0x1  }
0x1: {  	s1 =	stileid.u32  }
0x2: {  	p0 =	sgt.u32 s1, $0x3  }
.Ltmp0:
0x3: {  	_ = 	snop;
	(pc) =	sbr.rel @p0 .LBB2_5-.Ltmp0, $4  }
0x4: {  	_ = 	snop  }
0x5: {  	s4 =	rddreg [dreg:$0x0];
	s2 =	simm.s32 $0x0  }
0x6: {  	[smem:$0x7FF] =	sst s2  }
0x7: {  	s0 =	rddreg [dreg:$0x1];
	_ =	strace $0x80000047  }
0x8: {  	s3 =	srdreg.scid  }
0x9: {  	s6 =	smul.u32 $0x14000, s1;
	s3 =	sand.u32 $0x1, s3  }
0xa: {  	s7 =	sadd.s32 $0xD600, s4;
	s5 =	smul.u32 $0x50000, s3;
	s8 =	sshll.u32 s3, $0x2  }
0xb: {  	s28 =	ssub.s32 $0x2, s3;
	s3 =	sadd.s32 $0x17600, s4;
	s29 =	sor.u32 s1, s8  }
0xc: {  	s30 =	sshrl.u32 s28, $0x1;
	s5 =	sadd.s32 s6, s5;
	s9 =	smul.u32 $0x1400, s29  }
0xd: {  	s8 =	simm.s32 $0xA000;
	s6 =	ssub.s32 s28, s30;
	s5 =	sshrl.u32 s5, $0x3  }
0xe: {  	s6 =	smax.u32 s6, $0x1;
	s31 =	sadd.s32 s5, s4;
	s5 =	sadd.s32 s7, s9  }
0xf: {  	v0 =	vimm.s32 $0x0;
	v1 =	vimm.s32 $0x1;
	v2 =	vlaneseq.u32;
	s7 =	simm.s32 $0x1;
	s9 =	simm.s32 $0x0;
	s4 =	sadd.s32 $0x19E00, s31  }
.LBB2_2:
0x10: {  	[tilespmem:s2], [sflag:$0x1] =	stream.linear.gather [hbm4b:s5+s2], $0xA000, $0x38;
	[tilespmem:$0x1E000] =	vst v63  }
0x11: {  	_ =	swait.ge [sflag:s7], $0xA000  }
0x12: {  	[sflag:s7] =	ssyncset.done $0x0  }
0x13: {  	[sflag:s7] =	ssyncadd.s32 $0xFFFF6000  }
0x14: {  	[tilespmem:s8], [sflag:$0x1] =	stream.linear.gather [hbm4b:s3+s2], $0x14000, $0x38;
	[tilespmem:$0x1E000] =	vst v63  }
0x15: {  	_ =	swait.ge [sflag:s7], $0x14000  }
0x16: {  	[sflag:s7] =	ssyncset.done $0x0  }
0x17: {  	s10 =	simm.s32 $0x1C0;
	[sflag:s7] =	ssyncadd.s32 $0xFFFEC000  }
.LBB2_3:
0x18: {  	s11 =	sshra.s32 s10, $0x2  }
0x19: {  	v3 =	vld [tilespmem:s11+$0xFFFFFF90];
	_ =	sdelay $0x4  }
0x1a: {  	vm0 =	vgt.s32 v3, $0x13FF  }
0x1b: {  	v4 =	vsel vm0, $0xFFFEC00, v0  }
0x1c: {  	v4 =	vadd.s32 v3, v4  }
0x1d: {  	v3 =	vshll.u32 v3, $0x4;
	v4 =	vshll.u32 v4, $0x4  }
0x1e: {  	v3 =	vand.u32 $0x70, v3;
	v4 =	vand.u32 $0xFFFFFF80, v4  }
0x1f: {  	v3 =	vor.u32 v4, v3  }
0x20: {  	v3 =	vor.u32 v2, v3;
	_ =	sdelay $0x3  }
0x21: {  	v49 =	vsel vm0, $0x10000, v1  }
0x22: {  	[tilespmem:v3+s8+$0x0] =	vst.idx.add.s32.msk $0xffff, v49  }
0x23: {  	v3 =	vld [tilespmem:s11+$0xFFFFFFA0];
	_ =	sdelay $0x4  }
0x24: {  	vm9 =	vgt.s32 v3, $0x13FF  }
0x25: {  	v50 =	vsel vm9, $0xFFFEC00, v0  }
0x26: {  	v4 =	vadd.s32 v3, v50  }
0x27: {  	v3 =	vshll.u32 v3, $0x4;
	v4 =	vshll.u32 v4, $0x4  }
0x28: {  	v3 =	vand.u32 $0x70, v3;
	v4 =	vand.u32 $0xFFFFFF80, v4  }
0x29: {  	v3 =	vor.u32 v4, v3  }
0x2a: {  	v3 =	vor.u32 v2, v3;
	_ =	sdelay $0x3  }
0x2b: {  	v51 =	vsel vm9, $0x10000, v1  }
0x2c: {  	[tilespmem:v3+s8+$0x0] =	vst.idx.add.s32.msk $0xffff, v51  }
0x2d: {  	v3 =	vld [tilespmem:s11+$0xFFFFFFB0];
	_ =	sdelay $0x4  }
0x2e: {  	vm10 =	vgt.s32 v3, $0x13FF  }
0x2f: {  	v52 =	vsel vm10, $0xFFFEC00, v0  }
0x30: {  	v4 =	vadd.s32 v3, v52  }
0x31: {  	v3 =	vshll.u32 v3, $0x4;
	v4 =	vshll.u32 v4, $0x4  }
0x32: {  	v3 =	vand.u32 $0x70, v3;
	v4 =	vand.u32 $0xFFFFFF80, v4  }
0x33: {  	v3 =	vor.u32 v4, v3  }
0x34: {  	v3 =	vor.u32 v2, v3;
	_ =	sdelay $0x3  }
0x35: {  	v53 =	vsel vm10, $0x10000, v1  }
0x36: {  	[tilespmem:v3+s8+$0x0] =	vst.idx.add.s32.msk $0xffff, v53  }
0x37: {  	v3 =	vld [tilespmem:s11+$0xFFFFFFC0];
	_ =	sdelay $0x4  }
0x38: {  	vm11 =	vgt.s32 v3, $0x13FF  }
0x39: {  	v54 =	vsel vm11, $0xFFFEC00, v0  }
0x3a: {  	v4 =	vadd.s32 v3, v54  }
0x3b: {  	v3 =	vshll.u32 v3, $0x4;
	v4 =	vshll.u32 v4, $0x4  }
0x3c: {  	v3 =	vand.u32 $0x70, v3;
	v4 =	vand.u32 $0xFFFFFF80, v4  }
0x3d: {  	v3 =	vor.u32 v4, v3  }
0x3e: {  	v3 =	vor.u32 v2, v3;
	_ =	sdelay $0x3  }
0x3f: {  	v55 =	vsel vm11, $0x10000, v1  }
0x40: {  	[tilespmem:v3+s8+$0x0] =	vst.idx.add.s32.msk $0xffff, v55  }
0x41: {  	v3 =	vld [tilespmem:s11+$0xFFFFFFD0];
	_ =	sdelay $0x4  }
0x42: {  	vm12 =	vgt.s32 v3, $0x13FF  }
0x43: {  	v56 =	vsel vm12, $0xFFFEC00, v0  }
0x44: {  	v4 =	vadd.s32 v3, v56  }
0x45: {  	v3 =	vshll.u32 v3, $0x4;
	v4 =	vshll.u32 v4, $0x4  }
0x46: {  	v3 =	vand.u32 $0x70, v3;
	v4 =	vand.u32 $0xFFFFFF80, v4  }
0x47: {  	v3 =	vor.u32 v4, v3  }
0x48: {  	v3 =	vor.u32 v2, v3;
	_ =	sdelay $0x3  }
0x49: {  	v57 =	vsel vm12, $0x10000, v1  }
0x4a: {  	[tilespmem:v3+s8+$0x0] =	vst.idx.add.s32.msk $0xffff, v57  }
0x4b: {  	v3 =	vld [tilespmem:s11+$0xFFFFFFE0];
	_ =	sdelay $0x4  }
0x4c: {  	vm13 =	vgt.s32 v3, $0x13FF  }
0x4d: {  	v58 =	vsel vm13, $0xFFFEC00, v0  }
0x4e: {  	v4 =	vadd.s32 v3, v58  }
0x4f: {  	v3 =	vshll.u32 v3, $0x4;
	v4 =	vshll.u32 v4, $0x4  }
0x50: {  	v3 =	vand.u32 $0x70, v3;
	v4 =	vand.u32 $0xFFFFFF80, v4  }
0x51: {  	v3 =	vor.u32 v4, v3  }
0x52: {  	v3 =	vor.u32 v2, v3;
	_ =	sdelay $0x3  }
0x53: {  	v59 =	vsel vm13, $0x10000, v1  }
0x54: {  	[tilespmem:v3+s8+$0x0] =	vst.idx.add.s32.msk $0xffff, v59  }
0x55: {  	v3 =	vld [tilespmem:s11+$0xFFFFFFF0];
	_ =	sdelay $0x4  }
0x56: {  	vm14 =	vgt.s32 v3, $0x13FF  }
0x57: {  	v60 =	vsel vm14, $0xFFFEC00, v0  }
0x58: {  	v4 =	vadd.s32 v3, v60  }
0x59: {  	v3 =	vshll.u32 v3, $0x4;
	v4 =	vshll.u32 v4, $0x4  }
0x5a: {  	v3 =	vand.u32 $0x70, v3;
	v4 =	vand.u32 $0xFFFFFF80, v4  }
0x5b: {  	v3 =	vor.u32 v4, v3  }
0x5c: {  	v3 =	vor.u32 v2, v3;
	_ =	sdelay $0x3  }
0x5d: {  	v61 =	vsel vm14, $0x10000, v1  }
0x5e: {  	[tilespmem:v3+s8+$0x0] =	vst.idx.add.s32.msk $0xffff, v61  }
0x5f: {  	v3 =	vld [tilespmem:s11+$0x0];
	_ =	sdelay $0x4  }
0x60: {  	vm15 =	vgt.s32 v3, $0x13FF  }
0x61: {  	v62 =	vsel vm15, $0xFFFEC00, v0  }
0x62: {  	v4 =	vadd.s32 v3, v62  }
0x63: {  	v3 =	vshll.u32 v3, $0x4;
	v4 =	vshll.u32 v4, $0x4  }
0x64: {  	v3 =	vand.u32 $0x70, v3;
	v4 =	vand.u32 $0xFFFFFF80, v4  }
0x65: {  	v3 =	vor.u32 v4, v3  }
0x66: {  	p0 =	sne.s32 s10, $0x27FC0;
	v3 =	vor.u32 v2, v3  }
.Ltmp1:
0x67: {  	_ = 	snop;
	(pc) =	sbr.rel @p0 .LBB2_3-.Ltmp1, $3  }
0x68: {  	_ =	sdelay $0x1  }
0x69: {  	v63 =	vsel vm15, $0x10000, v1  }
0x6a: {  	s10 =	sadd.s32 $0x200, s10;
	[tilespmem:v3+s8+$0x0] =	vst.idx.add.s32.msk $0xffff, v63  }
0x6b: {  	s9 =	sadd.s32 $0x1, s9  }
0x6c: {  	p0 =	sne.s32 s9, s6  }
.Ltmp2:
0x6d: {  	_ = 	snop;
	(pc) =	sbr.rel @p0 .LBB2_2-.Ltmp2, $4  }
0x6e: {  	[hbm4b:s4+s2] =	stream.linear.scatter [tilespmem:s8], [sflag:$0x1], $0x14000, $0x38;
	[tilespmem:$0x1E000] =	vst v63  }
0x6f: {  	_ =	swait.ge [sflag:s7], $0x14000  }
0x70: {  	[sflag:s7] =	ssyncset.done $0x0  }
0x71: {  	[sflag:s7] =	ssyncadd.s32 $0xFFFEC000  }
.LBB2_5:
0x72: {  	_ =	sfence.sel $0x180000  }
0x73: {  	[bflag:$0x0] =	sbarrier.arrive $0xFFFF  }
0x74: {  	p0 =	sne.s32 s1, $0x0;
	_ =	strace $0x90000047  }
0x75: {  	s0 =	sadd.s32 @!p0 $0x100000, s0;
	[bflag:$0x2] =	sbarrier.arrive $0xFFFF  }
0x76: {  	[sflag:s0] =	ssyncadd.tile.s32 @!p0 $0x1;
	_ =	shalt  }
.Lfunc_end2:
_tile_overlayer_lowered:
.L_overlay_start_2:
0x77: {  	(tag) =	ssettag $0x2  }
0x78: {  	s0 =	rddreg [dreg:$0x0];
	s2 =	stileid.u32  }
0x79: {  	s1 =	rddreg [dreg:$0x1];
	p0 =	sne.s32 s2, $0x0  }
0x7a: {  	s3 =	rddreg [dreg:$0x2];
	[bflag:$0x3] =	sbarrier.arrive $0xFFFF;
	s2 =	simm.s32 @!p0 $0x1C01  }
0x7b: {  	[timem:s3], [sflag:s2] =	dma.local @!p0 [hbm:s0], s1  }
0x7c: {  	s0 =	simm.s32 @!p0 $0x1  }
0x7d: {  	_ =	swait.ge @!p0 [sflag:s0], s1  }
0x7e: {  	s1 =	ssub.s32 @!p0 $0x0, s1;
	[sflag:s0] =	ssyncset.done @!p0 $0x0  }
0x7f: {  	[sflag:s0] =	ssyncadd.s32 @!p0 s1  }
0x80: {  	[bflag:$0x3] =	sbarrier.arrive $0xFFFF  }
0x81: {  	_ =	shalt  }

// kernel: kernel.13.cloned.1.call-start
scs
__scs_entry_jumppad:
0x0: {  	(pc) =	sbr.rel $0x88, $3  }
0x1: {  	(tag) =	ssettag $0x0;
	lr =	simm.s32 $0x1  }
0x2: {  	[smem:$0x3F98] =	sst lr;
	_ =	strace $0xD0000000  }
0x3: {  	_ = 	snop  }
0x4: {  	_ = 	snop  }
0x5: {  	_ = 	snop  }
0x6: {  	_ = 	snop  }
0x7: {  	_ = 	snop  }
__scs_overlays_trampoline_lowered:
0x8: {  	[smem:$0x3FA7] =	sst s0  }
0x9: {  	[smem:$0x3FA8] =	sst s1  }
0xa: {  	[smem:$0x3FA9] =	sst s2  }
0xb: {  	[smem:$0x3FAA] =	sst s3  }
0xc: {  	[smem:$0x3FAB] =	sst s4  }
0xd: {  	[smem:$0x3FAC] =	sst s5  }
0xe: {  	[smem:$0x3FAD] =	sst s6  }
0xf: {  	[smem:$0x3FAE] =	sst s7  }
0x10: {  	[smem:$0x3FAF] =	sst s8  }
0x11: {  	[smem:$0x3FB0] =	sst s9;
	s0 =	simm.s32 @!p0 $0x0  }
0x12: {  	s1 =	sld [smem:$0x3F96];
	s0 =	simm.s32 @p0 $0x1  }
0x13: {  	[smem:$0x3FB1] =	sst s0;
	s0 =	simm.s32 @!p1 $0x0  }
0x14: {  	s2 =	sld [smem:$0x3F95];
	s0 =	simm.s32 @p1 $0x1  }
0x15: {  	[smem:$0x3FB2] =	sst s0;
	s0 =	simm.s32 @!p2 $0x0  }
0x16: {  	s3 =	sld [smem:$0x3FDB];
	s0 =	simm.s32 @p2 $0x1  }
0x17: {  	s4 =	simm.s32 $0x1BF5;
	[smem:$0x3FB4] =	sst s0  }
0x18: {  	s0 =	sld [smem:$0x3F97];
	_ =	swait.ge [sflag:s4], $0x0  }
0x19: {  	s7 =	sld [smem:$0x3F98]  }
0x1a: {  	s8 =	sadd.s32 $0xFFFFE003, lr  }
0x1b: {  	s9 =	sadd.s32 $0xFFFFFEF7, lr;
	s5 =	simm.s32 $0xFFFFFFFF;
	p2 =	slt.u32 s8, $0xFFFFF086  }
0x1c: {  	p1 =	slt.u32 s9, $0xF7A;
	s5 =	simm.s32 @!p2 $0x0  }
0x1d: {  	s5 =	simm.s32 @p1 $0x1;
	p0 =	seq.s32 s7, s2  }
0x1e: {  	s7 =	smul.u32 @!p0 $0xF7A, s2;
	p2 =	seq.s32 @!p0 s5, $0x0  }
0x1f: {  	s9 =	smul.u32 $0xF7A, s1;
	s8 =	simm.s32 @!p0 $0x1BF5;
	p2 =	por !p2, p0  }
0x20: {  	[sflag:s8] =	ssyncset.s32 @!p0 $0xFFFFF086;
	s6 =	sadd.s32 @!p0 s3, s7;
	s7 =	simm.s32 @!p0 $0x108  }
0x21: {  	s3 =	sadd.s32 s3, s9;
	s6 =	sadd.s32 @!p0 $0x88, s6;
	s7 =	simm.s32 @p2 $0x1082  }
0x22: {  	[simem:s7], [sflag:s8] =	dma.local @!p0 [hbm:s6], $0xF7A  }
0x23: {  	s9 =	sor.u32 $0xD0000000, s2;
	s6 =	simm.s32 $0x108;
	_ =	swait.ge @!p0 [sflag:s8], $0x0  }
0x24: {  	s3 =	sadd.s32 $0x88, s3;
	s6 =	simm.s32 @!p1 $0x1082;
	[sflag:s4] =	ssyncset.s32 $0xFFFFF086  }
0x25: {  	[simem:s6], [sflag:s4] =	dma.local [hbm:s3], $0xF7A  }
0x26: {  	[smem:$0x3F98] =	sst s1;
	(tag) =	ssettag s2;
	_ =	strace s9  }
0x27: {  	s1 =	sld [smem:$0x3FA8]  }
0x28: {  	s2 =	sld [smem:$0x3FA9]  }
0x29: {  	s4 =	sld [smem:$0x3FAB]  }
0x2a: {  	p0 =	seq.s32 s5, $0x0;
	s5 =	sld [smem:$0x3FAC]  }
0x2b: {  	s6 =	sld [smem:$0x3FAD]  }
0x2c: {  	s7 =	sld [smem:$0x3FAE]  }
0x2d: {  	s3 =	simm.s32 $0x108;
	s8 =	sld [smem:$0x3FAF]  }
0x2e: {  	s3 =	simm.s32 @!p0 $0x1082;
	s9 =	sld [smem:$0x3FB0]  }
0x2f: {  	lr =	sadd.s32 s0, s3;
	s0 =	sld [smem:$0x3FA7]  }
0x30: {  	s3 =	sld [smem:$0x3FAA]  }
0x31: {  	[smem:$0x3FB3] =	sst s10  }
0x32: {  	s10 =	sld [smem:$0x3FB1];
	_ =	sdelay $0x3  }
0x33: {  	p0 =	seq.s32 s10, $0x1;
	s10 =	sld [smem:$0x3FB3];
	_ =	sdelay $0x3  }
0x34: {  	[smem:$0x3FB3] =	sst s10  }
0x35: {  	s10 =	sld [smem:$0x3FB2];
	_ =	sdelay $0x3  }
0x36: {  	p1 =	seq.s32 s10, $0x1;
	s10 =	sld [smem:$0x3FB3];
	_ =	sdelay $0x3  }
0x37: {  	[smem:$0x3FB3] =	sst s10  }
0x38: {  	s10 =	sld [smem:$0x3FB4]  }
0x39: {  	_ = 	snop;
	(pc) =	sbr.ind lr, $3  }
0x3a: {  	_ = 	snop  }
0x3b: {  	_ = 	snop  }
0x3c: {  	p2 =	seq.s32 s10, $0x1;
	s10 =	sld [smem:$0x3FB3]  }
0x3d: {  	_ =	shalt  }
0x3e: {  	_ =	shalt  }
0x3f: {  	_ =	shalt  }
0x40: {  	_ =	shalt  }
0x41: {  	_ =	shalt  }
0x42: {  	_ =	shalt  }
0x43: {  	_ =	shalt  }
0x44: {  	_ =	shalt  }
0x45: {  	_ =	shalt  }
0x46: {  	_ =	shalt  }
0x47: {  	_ =	shalt  }
0x48: {  	_ =	shalt  }
0x49: {  	_ =	shalt  }
0x4a: {  	_ =	shalt  }
0x4b: {  	_ =	shalt  }
0x4c: {  	_ =	shalt  }
0x4d: {  	_ =	shalt  }
0x4e: {  	_ =	shalt  }
0x4f: {  	_ =	shalt  }
0x50: {  	_ =	shalt  }
0x51: {  	_ =	shalt  }
0x52: {  	_ =	shalt  }
0x53: {  	_ =	shalt  }
0x54: {  	_ =	shalt  }
0x55: {  	_ =	shalt  }
0x56: {  	_ =	shalt  }
0x57: {  	_ =	shalt  }
0x58: {  	_ =	shalt  }
0x59: {  	_ =	shalt  }
0x5a: {  	_ =	shalt  }
0x5b: {  	_ =	shalt  }
0x5c: {  	_ =	shalt  }
0x5d: {  	_ =	shalt  }
0x5e: {  	_ =	shalt  }
0x5f: {  	_ =	shalt  }
0x60: {  	_ =	shalt  }
0x61: {  	_ =	shalt  }
0x62: {  	_ =	shalt  }
0x63: {  	_ =	shalt  }
0x64: {  	_ =	shalt  }
0x65: {  	_ =	shalt  }
0x66: {  	_ =	shalt  }
0x67: {  	_ =	shalt  }
0x68: {  	_ =	shalt  }
0x69: {  	_ =	shalt  }
0x6a: {  	_ =	shalt  }
0x6b: {  	_ =	shalt  }
0x6c: {  	_ =	shalt  }
0x6d: {  	_ =	shalt  }
0x6e: {  	_ =	shalt  }
0x6f: {  	_ =	shalt  }
0x70: {  	_ =	shalt  }
0x71: {  	_ =	shalt  }
0x72: {  	_ =	shalt  }
0x73: {  	_ =	shalt  }
0x74: {  	_ =	shalt  }
0x75: {  	_ =	shalt  }
0x76: {  	_ =	shalt  }
0x77: {  	_ =	shalt  }
0x78: {  	_ =	shalt  }
0x79: {  	_ =	shalt  }
0x7a: {  	_ =	shalt  }
0x7b: {  	_ =	shalt  }
0x7c: {  	_ =	shalt  }
0x7d: {  	_ =	shalt  }
0x7e: {  	_ =	shalt  }
0x7f: {  	_ =	shalt  }
0x80: {  	_ =	shalt  }
0x81: {  	_ =	shalt  }
0x82: {  	_ =	shalt  }
0x83: {  	_ =	shalt  }
0x84: {  	_ =	shalt  }
0x85: {  	_ =	shalt  }
0x86: {  	_ =	shalt  }
0x87: {  	_ =	shalt  }
.Lfunc_end0:
.L_simem_size_0:
called_computation.1_lowered:
.L_overlay_start_0:
0x88: {  	s2 =	sld [smem:$0x3FD9]  }
0x89: {  	s3 =	sld [smem:$0x3FFE];
	_ =	sdelay $0x1  }
0x8a: {  	s1 =	srdreg.scid  }
0x8b: {  	s0 =	sand.u32 $0x1, s1  }
0x8c: {  	s16 =	sshll.u32 s0, $0xA;
	s2 =	sadd.s32 s3, s2  }
0x8d: {  	s2 =	sadd.s32 s2, s16  }
0x8e: {  	[smem:$0x3FBF] =	sst s2  }
0x8f: {  	_ = 	snop  }
0x90: {  	(tm) =	ssettm $0x1  }
0x91: {  	s17 =	sld [smem:$0x3FFB];
	_ =	sdelay $0x3  }
0x92: {  	_ =	strace s17  }
0x93: {  	s2 =	sld [smem:$0x3FFC];
	_ =	sdelay $0x3  }
0x94: {  	_ =	strace s2  }
0x95: {  	s2 =	sld [smem:$0x3FFD];
	_ =	sdelay $0x3  }
0x96: {  	_ =	strace s2  }
0x97: {  	_ =	strace $0x8FFFFFFF  }
0x98: {  	s18 =	sld [smem:$0x3FDB];
	_ =	sdelay $0x1  }
0x99: {  	s19 =	simm.s32 $_scs_section_size  }
0x9a: {  	s4 =	simm.s32 $_size__tile_overlayer_lowered;
	s5 =	simm.s32 $_tile_overlayer_lowered  }
0x9b: {  	s22 =	simm.s32 $0x1BFF;
	s21 =	sshll.u32 s5, $0x1;
	s2 =	sadd.s32 s19, s18  }
0x9c: {  	s6 =	simm.s32 $0x0;
	s20 =	sshll.u32 s4, $0x1;
	s4 =	sadd.s32 s21, s2  }
0x9d: {  	[timem:s6], [sflag:s22] =	dma.local [hbm:s4], s20  }
0x9e: {  	_ =	swait.ge [sflag:s22], s20  }
0x9f: {  	s3 =	ssub.s32 $0x0, s20;
	[sflag:s22] =	ssyncset.done $0x0  }
0xa0: {  	[sflag:s22] =	ssyncadd.s32 s3;
	_ =	sdelay $0x1  }
0xa1: {  	s23 =	simm.s32 $0x1B8B  }
0xa2: {  	_ =	swait.ge [sflag:s23], $0x1  }
0xa3: {  	[sflag:s23] =	ssyncset.done $0x0  }
0xa4: {  	s25 =	simm.s32 $0x1B8E;
	s24 =	sld [smem:$0x3FFE];
	[sflag:s23] =	ssyncadd.s32 $0xFFFFFFFF  }
0xa5: {  	s26 =	simm.s32 $execute0_lowered;
	[smem:$0x3FD2] =	sst s25  }
0xa6: {  	s4 =	sshll.u32 s26, $0x1;
	_ =	strace $0x80000049;
	[dreg:$0x1] =	wrdreg $0xFFFFFFFF  }
0xa7: {  	s28 =	simm.s32 $_size_execute0_lowered;
	s2 =	sadd.s32 s2, s4;
	[dreg:$0x0] =	wrdreg $0x0  }
0xa8: {  	s4 =	sshll.u32 s28, $0x1;
	[dreg:$0x2] =	wrdreg s2  }
0xa9: {  	[dreg:$0x3] =	wrdreg s4  }
0xaa: {  	[dreg:$0x4] =	wrdreg $0xC0  }
0xab: {  	_ =	task [dreg:s6], $0x5FFFF  }
0xac: {  	[dreg:$0x1] =	wrdreg $0xFFFFFFFF  }
0xad: {  	[dreg:$0x0] =	wrdreg $0x60  }
0xae: {  	[dreg:$0x2] =	wrdreg s24  }
0xaf: {  	[dreg:$0x3] =	wrdreg $0x120000  }
0xb0: {  	[dreg:$0x4] =	wrdreg $0x9  }
0xb1: {  	_ =	task.clear_ibuf [dreg:s6], $0x5FFFF;
	_ =	strace $0x90000049  }
0xb2: {  	s29 =	simm.s32 $0x9;
	_ =	strace $0x8000004B  }
0xb3: {  	_ =	swait.ge [sflag:s29], $0x1  }
0xb4: {  	[sflag:s29] =	ssyncadd.s32 $0xFFFFFFFF  }
0xb5: {  	_ =	strace $0x9000004B  }
0xb6: {  	_ =	sfence  }
0xb7: {  	s30 =	sld [smem:$0x0];
	_ =	sdelay $0x2  }
0xb8: {  	s31 =	sshll.u32 s1, $0xD;
	s1 =	sshrl.u32 s1, $0x2  }
0xb9: {  	s3 =	sand.u32 $0x4000, s31;
	s1 =	sadd.s32 s1, s30  }
0xba: {  	s0 =	sor.u32 s3, s0;
	s1 =	sshll.u32 s1, $0x11  }
0xbb: {  	s0 =	sor.u32 s1, s0  }
0xbc: {  	s0 =	sadd.s32 $0x8F2B, s0  }
0xbd: {  	[sflag:s0] =	ssyncadd.remote.s32 $0x1  }
0xbe: {  	_ =	sfence.sel $0xFFFF  }
0xbf: {  	[dreg:$0x0] =	wrdreg $0xFFFFFFFF;
	(pc) =	sbr.abs _section_cstart, $3  }
0xc0: {  	[dreg:$0x1] =	wrdreg $0xFFFFFFFF  }
0xc1: {  	_ =	task.clear_ibuf [dreg:s6], $0x2FFFF;
	_ =	strace $0x9FFFFFFF  }
0xc2: {  	(tm) =	ssettm $0x7FFFFFFF  }
0xc3: {  	_ =	shalt  }
tec
execute0_lowered:
.L_overlay_start_1:
0x0: {  	(tag) =	ssettag $0x1  }
0x1: {  	s5 =	rddreg [dreg:$0x0]  }
0x2: {  	s2 =	rddreg [dreg:$0x1]  }
0x3: {  	s0 =	rddreg [dreg:$0x2]  }
0x4: {  	s1 =	stileid.u32;
	s4 =	srdreg.scid;
	s3 =	simm.s32 $0x0  }
0x5: {  	s14 =	simm.s32 $0x80;
	s15 =	simm.s32 $0xA000;
	s6 =	smul.u32 $0xA00, s1  }
0x6: {  	s16 =	simm.s32 $0xE000;
	s17 =	simm.s32 $0x1;
	s9 =	smul.u32 $0xA000, s1  }
0x7: {  	s18 =	simm.s32 $0x2;
	s20 =	simm.s32 $0x9F80;
	s26 =	smul.u32 $0x140, s1  }
0x8: {  	s21 =	simm.s32 $0x0;
	s7 =	sand.u32 $0x1, s4;
	s11 =	smul.u32 $0x28000, s1  }
0x9: {  	[smem:$0x7FF] =	sst s3;
	s4 =	sadd.s32 $0x17600, s5;
	s8 =	smul.u32 $0xA0000, s7  }
0xa: {  	s31 =	sshll.u32 s1, $0x6;
	s19 =	smul.u32 $0x1400, s7;
	s7 =	ssub.s32 $0x2, s7  }
0xb: {  	_ =	strace $0x8000004A;
	s10 =	sadd.s32 s6, s5;
	s28 =	sshrl.u32 s7, $0x1  }
0xc: {  	s30 =	sshrl.u32 s11, $0x2;
	s25 =	sadd.s32 s9, s8;
	s13 =	ssub.s32 s7, s28  }
0xd: {  	s29 =	sadd.s32 s26, s19;
	s11 =	sadd.s32 s30, s2;
	s7 =	sadd.s32 $0x3600, s10  }
0xe: {  	s8 =	sadd.s32 $0xD600, s10;
	v0 =	vmov s19;
	s19 =	simm.s32 $0x9F00;
	s6 =	sshrl.u32 s25, $0x3  }
0xf: {  	s10 =	smax.u32 s13, $0x1;
	s11 =	sshrl.u32 s11, $0x3;
	s13 =	simm.s32 $0x5000  }
0x10: {  	s12 =	sadd.s32 s6, s5;
	s5 =	sshll.u32 s29, $0x4;
	s6 =	sor.u32 $0x1C03, s31  }
0x11: {  	s5 =	sadd.s32 s4, s5;
	s9 =	sadd.s32 $0x3F600, s12;
	s12 =	simm.s32 $0x3  }
.LBB2_1:
0x12: {  	[spmem:s11], [sflag:s6] =	dma.local [hbm:s5], $0x1400  }
0x13: {  	_ =	swait.ge [sflag:s12], $0x1400  }
0x14: {  	[sflag:s12] =	ssyncset.done $0x0  }
0x15: {  	[sflag:s12] =	ssyncadd.s32 $0xFFFFEC00  }
0x16: {  	[tilespmem:s3], [sflag:$0x3] =	stream.linear.gather [hbm4b:s7+s3], $0x5000, $0x38;
	[tilespmem:$0x1C000] =	vst v63  }
0x17: {  	_ =	swait.ge [sflag:s12], $0x5000  }
0x18: {  	[sflag:s12] =	ssyncset.done $0x0  }
0x19: {  	[sflag:s12] =	ssyncadd.s32 $0xFFFFB000  }
0x1a: {  	[tilespmem:s13], [sflag:$0x3] =	stream.linear.gather [hbm4b:s8+s3], $0x5000, $0x38;
	[tilespmem:$0x1C000] =	vst v63  }
0x1b: {  	_ =	swait.ge [sflag:s12], $0x5000  }
0x1c: {  	[sflag:s12] =	ssyncset.done $0x0  }
0x1d: {  	s22 =	simm.s32 $0x70;
	[sflag:s12] =	ssyncadd.s32 $0xFFFFB000  }
0x1e: {  	v1 =	vld [tilespmem:s22+$0x4F90]  }
0x1f: {  	v2 =	vld [tilespmem:s22+$0x4FA0];
	_ =	sdelay $0x2  }
0x20: {  	v3 =	vld [tilespmem:s22+$0x4FB0]  }
0x21: {  	v8 =	vld [tilespmem:s22+$0x4FC0]  }
0x22: {  	v4 =	vsub.s32 v1, v0;
	v1 =	vand.u32 $0x3F, v1;
	v6 =	vsub.s32 v2, v0  }
0x23: {  	v5 =	vld [tilespmem:s22+$0x4FD0];
	v2 =	vand.u32 $0x3F, v2;
	vm0 =	vlt.u32 v4, $0x1400;
	v1 =	vadd.s32 $0x1388, v1  }
0x24: {  	v4 =	vsel vm0, v4, v1;
	vm0 =	vlt.u32 v6, $0x1400;
	v1 =	vadd.s32 $0x1388, v2  }
0x25: {  	v2 =	vsel vm0, v6, v1;
	v6 =	vsub.s32 v3, v0;
	v1 =	vand.u32 $0x3F, v3;
	v3 =	vld [tilespmem:s22+$0x4FE0]  }
0x26: {  	v7 =	vsub.s32 v8, v0;
	vm0 =	vlt.u32 v6, $0x1400;
	v9 =	vadd.s32 $0x1388, v1;
	v1 =	vld [tilespmem:s22+$0x4FF0]  }
0x27: {  	s23 =	simm.s32 $0x3C0;
	v8 =	vand.u32 $0x3F, v8;
	v6 =	vsel vm0, v6, v9;
	vm0 =	vlt.u32 v7, $0x1400  }
.LBB2_2:
0x28: {  	p0 =	sne.s32 s23, $0x13FC0;
	v8 =	vadd.s32 $0x1388, v8;
	v9 =	vsub.s32 v5, v0;
	v5 =	vand.u32 $0x3F, v5;
	v10 =	vld [tilespmem:s22+$0x5000]  }
0x29: {  	s24 =	sshra.s32 s23, $0x2;
	[tilespmem:s22+$0x4F90] =	vst v4;
	v4 =	vsel vm0, v7, v8;
	vm0 =	vlt.u32 v9, $0x1400;
	v5 =	vadd.s32 $0x1388, v5  }
0x2a: {  	v7 =	vld [tilespmem:s24+$0x4F90];
	[tilespmem:s22+$0x4FA0] =	vst v2;
	v2 =	vsel vm0, v9, v5;
	v5 =	vsub.s32 v3, v0;
	v3 =	vand.u32 $0x3F, v3  }
0x2b: {  	[tilespmem:s22+$0x4FB0] =	vst v6;
	vm0 =	vlt.u32 v5, $0x1400;
	v3 =	vadd.s32 $0x1388, v3;
	v6 =	vsub.s32 v1, v0  }
0x2c: {  	v1 =	vand.u32 $0x3F, v1;
	v8 =	vld [tilespmem:s24+$0x4FA0];
	[tilespmem:s22+$0x4FC0] =	vst v4;
	v3 =	vsel vm0, v5, v3;
	vm0 =	vlt.u32 v6, $0x1400  }
0x2d: {  	v1 =	vadd.s32 $0x1388, v1;
	[tilespmem:s22+$0x4FD0] =	vst v2;
	v2 =	vsub.s32 v10, v0;
	v4 =	vand.u32 $0x3F, v10  }
0x2e: {  	v1 =	vsel vm0, v6, v1;
	v9 =	vld [tilespmem:s24+$0x4FB0];
	[tilespmem:s22+$0x4FE0] =	vst v3;
	vm0 =	vlt.u32 v2, $0x1400;
	v3 =	vadd.s32 $0x1388, v4  }
0x2f: {  	v4 =	vsub.s32 v7, v0;
	v10 =	vld [tilespmem:s24+$0x4FC0];
	[tilespmem:s22+$0x4FF0] =	vst v1;
	v1 =	vsel vm0, v2, v3  }
0x30: {  	v2 =	vand.u32 $0x3F, v7;
	vm0 =	vlt.u32 v4, $0x1400;
	[tilespmem:s22+$0x5000] =	vst v1;
	s22 =	smov.u32 s24  }
.Ltmp0:
0x31: {  	v1 =	vadd.s32 $0x1388, v2;
	v2 =	vsub.s32 v8, v0;
	v3 =	vand.u32 $0x3F, v8;
	v5 =	vld [tilespmem:s22+$0x4FD0];
	(pc) =	sbr.rel @p0 .LBB2_2-.Ltmp0, $4  }
0x32: {  	v4 =	vsel vm0, v4, v1;
	vm0 =	vlt.u32 v2, $0x1400;
	v1 =	vadd.s32 $0x1388, v3  }
0x33: {  	v2 =	vsel vm0, v2, v1;
	v6 =	vsub.s32 v9, v0;
	v1 =	vand.u32 $0x3F, v9;
	v3 =	vld [tilespmem:s22+$0x4FE0]  }
0x34: {  	vm0 =	vlt.u32 v6, $0x1400;
	v8 =	vadd.s32 $0x1388, v1;
	v7 =	vsub.s32 v10, v0;
	v1 =	vld [tilespmem:s22+$0x4FF0]  }
0x35: {  	s23 =	sadd.s32 $0x200, s23;
	v6 =	vsel vm0, v6, v8;
	vm0 =	vlt.u32 v7, $0x1400;
	v8 =	vand.u32 $0x3F, v10  }
0x36: {  	v8 =	vadd.s32 $0x1388, v8;
	v9 =	vsub.s32 v5, v0;
	v59 =	vand.u32 $0x3F, v5;
	v10 =	vld [tilespmem:s22+$0x5000]  }
0x37: {  	[tilespmem:s22+$0x4F90] =	vst v4;
	v60 =	vsel vm0, v7, v8;
	vm12 =	vlt.u32 v9, $0x1400;
	v5 =	vadd.s32 $0x1388, v59  }
0x38: {  	[tilespmem:s22+$0x4FA0] =	vst v2;
	v2 =	vsel vm12, v9, v5;
	v61 =	vsub.s32 v3, v0;
	v3 =	vand.u32 $0x3F, v3  }
0x39: {  	[tilespmem:s22+$0x4FB0] =	vst v6;
	vm13 =	vlt.u32 v61, $0x1400;
	v3 =	vadd.s32 $0x1388, v3;
	v62 =	vsub.s32 v1, v0  }
0x3a: {  	[tilespmem:s22+$0x4FC0] =	vst v60;
	v1 =	vand.u32 $0x3F, v1;
	v3 =	vsel vm13, v61, v3;
	vm14 =	vlt.u32 v62, $0x1400  }
0x3b: {  	[tilespmem:s22+$0x4FD0] =	vst v2;
	v1 =	vadd.s32 $0x1388, v1;
	v2 =	vsub.s32 v10, v0;
	v63 =	vand.u32 $0x3F, v10  }
0x3c: {  	[tilespmem:s22+$0x4FE0] =	vst v3;
	v1 =	vsel vm14, v62, v1;
	vm15 =	vlt.u32 v2, $0x1400;
	v3 =	vadd.s32 $0x1388, v63  }
0x3d: {  	[tilespmem:s22+$0x4FF0] =	vst v1;
	v1 =	vsel vm15, v2, v3  }
0x3e: {  	[tilespmem:s22+$0x5000] =	vst v1  }
0x3f: {  	s28 =	simm.s32 $0x0;
	[bflag:$0x0] =	sbarrier.arrive $0xFFFF  }
0x40: {  	[tilespmem:s15], [sflag:$0x1] =	stream.indirect.gather [hbm4b:s4+s14], $0x80, s28, s14, $0xb8;
	[tilespmem:$0x1C000] =	vst v63  }
0x41: {  	_ = 	snop  }
0x42: {  	[tilespmem:s16], [sflag:$0x2] =	stream.indirect.gather [hbm4b:s4+s14], $0x80, s14, s14, $0xb8;
	[tilespmem:$0x1C000] =	vst v63  }
0x43: {  	_ =	swait.ge [sflag:s17], $0x4000  }
0x44: {  	[sflag:s17] =	ssyncset.done $0x0  }
0x45: {  	s29 =	simm.s32 $0x5000;
	[sflag:s17] =	ssyncadd.s32 $0xFFFFC000  }
0x46: {  	[spmem:s2] =	stream.indirect.scatter.add.f32 [tilespmem:s15], [sflag:$0x3], $0x80, s29, s14, $0xb8;
	[tilespmem:$0x1C000] =	vst v63  }
0x47: {  	_ =	swait.ge [sflag:s12], $0x4000  }
0x48: {  	[sflag:s12] =	ssyncset.done $0x0  }
0x49: {  	s30 =	simm.s32 $0x100;
	[sflag:s12] =	ssyncadd.s32 $0xFFFFC000  }
0x4a: {  	[tilespmem:s15], [sflag:$0x1] =	stream.indirect.gather [hbm4b:s4+s14], $0x80, s30, s14, $0xb8;
	[tilespmem:$0x1C000] =	vst v63  }
0x4b: {  	_ =	swait.ge [sflag:s18], $0x4000  }
0x4c: {  	[sflag:s18] =	ssyncset.done $0x0  }
0x4d: {  	s31 =	simm.s32 $0x5080;
	[sflag:s18] =	ssyncadd.s32 $0xFFFFC000  }
0x4e: {  	[spmem:s2] =	stream.indirect.scatter.add.f32 [tilespmem:s16], [sflag:$0x3], $0x80, s31, s14, $0xb8;
	[tilespmem:$0x1C000] =	vst v63  }
0x4f: {  	_ =	swait.ge [sflag:s12], $0x4000  }
0x50: {  	[sflag:s12] =	ssyncset.done $0x0  }
0x51: {  	s23 =	simm.s32 $0x180;
	s22 =	simm.s32 $0x400;
	[sflag:s12] =	ssyncadd.s32 $0xFFFFC000  }
.LBB2_4:
0x52: {  	[tilespmem:s16], [sflag:$0x2] =	stream.indirect.gather [hbm4b:s4+s14], $0x80, s23, s14, $0xb8;
	[tilespmem:$0x1C000] =	vst v63  }
0x53: {  	s23 =	smov.u32 s22  }
0x54: {  	p0 =	sne.s32 s22, $0x13800;
	s22 =	sadd.s32 $0x400, s22;
	_ =	swait.ge [sflag:s17], $0x4000  }
0x55: {  	s23 =	sshra.s32 s23, $0x2;
	[sflag:s17] =	ssyncset.done $0x0  }
0x56: {  	s24 =	sadd.s32 $0x5000, s23;
	[sflag:s17] =	ssyncadd.s32 $0xFFFFC000  }
0x57: {  	[spmem:s2] =	stream.indirect.scatter.add.f32 [tilespmem:s15], [sflag:$0x3], $0x80, s24, s14, $0xb8;
	[tilespmem:$0x1C000] =	vst v63  }
0x58: {  	_ =	swait.ge [sflag:s12], $0x4000  }
0x59: {  	[sflag:s12] =	ssyncset.done $0x0  }
0x5a: {  	s24 =	sadd.s32 $0x100, s23;
	[sflag:s12] =	ssyncadd.s32 $0xFFFFC000  }
0x5b: {  	[tilespmem:s15], [sflag:$0x1] =	stream.indirect.gather [hbm4b:s4+s14], $0x80, s24, s14, $0xb8;
	[tilespmem:$0x1C000] =	vst v63  }
0x5c: {  	_ =	swait.ge [sflag:s18], $0x4000  }
0x5d: {  	[sflag:s18] =	ssyncset.done $0x0  }
.Ltmp1:
0x5e: {  	s24 =	sadd.s32 $0x5080, s23;
	[sflag:s18] =	ssyncadd.s32 $0xFFFFC000;
	(pc) =	sbr.rel @p0 .LBB2_4-.Ltmp1, $4  }
0x5f: {  	[spmem:s2] =	stream.indirect.scatter.add.f32 [tilespmem:s16], [sflag:$0x3], $0x80, s24, s14, $0xb8;
	[tilespmem:$0x1C000] =	vst v63  }
0x60: {  	_ =	swait.ge [sflag:s12], $0x4000  }
0x61: {  	[sflag:s12] =	ssyncset.done $0x0  }
0x62: {  	s23 =	sadd.s32 $0x180, s23;
	[sflag:s12] =	ssyncadd.s32 $0xFFFFC000  }
0x63: {  	[tilespmem:s16], [sflag:$0x2] =	stream.indirect.gather [hbm4b:s4+s14], $0x80, s23, s14, $0xb8;
	[tilespmem:$0x1C000] =	vst v63  }
0x64: {  	_ =	swait.ge [sflag:s17], $0x4000  }
0x65: {  	[sflag:s17] =	ssyncset.done $0x0  }
0x66: {  	[sflag:s17] =	ssyncadd.s32 $0xFFFFC000  }
0x67: {  	[spmem:s2] =	stream.indirect.scatter.add.f32 [tilespmem:s15], [sflag:$0x3], $0x80, s19, s14, $0xb8;
	[tilespmem:$0x1C000] =	vst v63  }
0x68: {  	_ =	swait.ge [sflag:s12], $0x4000  }
0x69: {  	[sflag:s12] =	ssyncset.done $0x0  }
0x6a: {  	[sflag:s12] =	ssyncadd.s32 $0xFFFFC000  }
0x6b: {  	_ =	swait.ge [sflag:s18], $0x4000  }
0x6c: {  	[sflag:s18] =	ssyncset.done $0x0  }
0x6d: {  	[sflag:s18] =	ssyncadd.s32 $0xFFFFC000  }
0x6e: {  	[spmem:s2] =	stream.indirect.scatter.add.f32 [tilespmem:s16], [sflag:$0x3], $0x80, s20, s14, $0xb8;
	[tilespmem:$0x1C000] =	vst v63  }
0x6f: {  	_ =	swait.ge [sflag:s12], $0x4000  }
0x70: {  	s21 =	sadd.s32 $0x1, s21;
	[sflag:s12] =	ssyncset.done $0x0  }
0x71: {  	p0 =	sne.s32 s21, s10;
	[sflag:s12] =	ssyncadd.s32 $0xFFFFC000  }
.Ltmp2:
0x72: {  	[bflag:$0x0] =	sbarrier.arrive $0xFFFF;
	(pc) =	sbr.rel @p0 .LBB2_1-.Ltmp2, $4  }
0x73: {  	[hbm:s9], [sflag:s6] =	dma.local [spmem:s11], $0x1400  }
0x74: {  	_ =	swait.ge [sflag:s12], $0x1400  }
0x75: {  	[sflag:s12] =	ssyncset.done $0x0  }
0x76: {  	[sflag:s12] =	ssyncadd.s32 $0xFFFFEC00  }
0x77: {  	_ =	sfence.sel $0x180000  }
0x78: {  	[bflag:$0x0] =	sbarrier.arrive $0xFFFF  }
0x79: {  	p0 =	sne.s32 s1, $0x0;
	_ =	strace $0x9000004A  }
0x7a: {  	s0 =	sadd.s32 @!p0 $0x100000, s0;
	[bflag:$0x2] =	sbarrier.arrive $0xFFFF  }
0x7b: {  	[sflag:s0] =	ssyncadd.tile.s32 @!p0 $0x1;
	_ =	shalt  }
.Lfunc_end2:
_tile_overlayer_lowered:
.L_overlay_start_2:
0x7c: {  	(tag) =	ssettag $0x2  }
0x7d: {  	s0 =	rddreg [dreg:$0x0];
	s2 =	stileid.u32  }
0x7e: {  	s1 =	rddreg [dreg:$0x1];
	p0 =	sne.s32 s2, $0x0  }
0x7f: {  	s3 =	rddreg [dreg:$0x2];
	[bflag:$0x3] =	sbarrier.arrive $0xFFFF;
	s2 =	simm.s32 @!p0 $0x1C03  }
0x80: {  	[timem:s3], [sflag:s2] =	dma.local @!p0 [hbm:s0], s1  }
0x81: {  	s0 =	simm.s32 @!p0 $0x3  }
0x82: {  	_ =	swait.ge @!p0 [sflag:s0], s1  }
0x83: {  	s1 =	ssub.s32 @!p0 $0x0, s1;
	[sflag:s0] =	ssyncset.done @!p0 $0x0  }
0x84: {  	[sflag:s0] =	ssyncadd.s32 @!p0 s1  }
0x85: {  	[bflag:$0x3] =	sbarrier.arrive $0xFFFF  }
0x86: {  	_ =	shalt  }

// kernel: kernel.16.cloned.1.call-start
scs
__scs_entry_jumppad:
0x0: {  	(pc) =	sbr.rel $0x88, $3  }
0x1: {  	(tag) =	ssettag $0x0;
	lr =	simm.s32 $0x1  }
0x2: {  	[smem:$0x3F98] =	sst lr;
	_ =	strace $0xD0000000  }
0x3: {  	_ = 	snop  }
0x4: {  	_ = 	snop  }
0x5: {  	_ = 	snop  }
0x6: {  	_ = 	snop  }
0x7: {  	_ = 	snop  }
__scs_overlays_trampoline_lowered:
0x8: {  	[smem:$0x3FA7] =	sst s0  }
0x9: {  	[smem:$0x3FA8] =	sst s1  }
0xa: {  	[smem:$0x3FA9] =	sst s2  }
0xb: {  	[smem:$0x3FAA] =	sst s3  }
0xc: {  	[smem:$0x3FAB] =	sst s4  }
0xd: {  	[smem:$0x3FAC] =	sst s5  }
0xe: {  	[smem:$0x3FAD] =	sst s6  }
0xf: {  	[smem:$0x3FAE] =	sst s7  }
0x10: {  	[smem:$0x3FAF] =	sst s8  }
0x11: {  	[smem:$0x3FB0] =	sst s9;
	s0 =	simm.s32 @!p0 $0x0  }
0x12: {  	s1 =	sld [smem:$0x3F96];
	s0 =	simm.s32 @p0 $0x1  }
0x13: {  	[smem:$0x3FB1] =	sst s0;
	s0 =	simm.s32 @!p1 $0x0  }
0x14: {  	s2 =	sld [smem:$0x3F95];
	s0 =	simm.s32 @p1 $0x1  }
0x15: {  	[smem:$0x3FB2] =	sst s0;
	s0 =	simm.s32 @!p2 $0x0  }
0x16: {  	s3 =	sld [smem:$0x3FDB];
	s0 =	simm.s32 @p2 $0x1  }
0x17: {  	s4 =	simm.s32 $0x1BF5;
	[smem:$0x3FB4] =	sst s0  }
0x18: {  	s0 =	sld [smem:$0x3F97];
	_ =	swait.ge [sflag:s4], $0x0  }
0x19: {  	s7 =	sld [smem:$0x3F98]  }
0x1a: {  	s8 =	sadd.s32 $0xFFFFE003, lr  }
0x1b: {  	s9 =	sadd.s32 $0xFFFFFEF7, lr;
	s5 =	simm.s32 $0xFFFFFFFF;
	p2 =	slt.u32 s8, $0xFFFFF086  }
0x1c: {  	p1 =	slt.u32 s9, $0xF7A;
	s5 =	simm.s32 @!p2 $0x0  }
0x1d: {  	s5 =	simm.s32 @p1 $0x1;
	p0 =	seq.s32 s7, s2  }
0x1e: {  	s7 =	smul.u32 @!p0 $0xF7A, s2;
	p2 =	seq.s32 @!p0 s5, $0x0  }
0x1f: {  	s9 =	smul.u32 $0xF7A, s1;
	s8 =	simm.s32 @!p0 $0x1BF5;
	p2 =	por !p2, p0  }
0x20: {  	[sflag:s8] =	ssyncset.s32 @!p0 $0xFFFFF086;
	s6 =	sadd.s32 @!p0 s3, s7;
	s7 =	simm.s32 @!p0 $0x108  }
0x21: {  	s3 =	sadd.s32 s3, s9;
	s6 =	sadd.s32 @!p0 $0x88, s6;
	s7 =	simm.s32 @p2 $0x1082  }
0x22: {  	[simem:s7], [sflag:s8] =	dma.local @!p0 [hbm:s6], $0xF7A  }
0x23: {  	s9 =	sor.u32 $0xD0000000, s2;
	s6 =	simm.s32 $0x108;
	_ =	swait.ge @!p0 [sflag:s8], $0x0  }
0x24: {  	s3 =	sadd.s32 $0x88, s3;
	s6 =	simm.s32 @!p1 $0x1082;
	[sflag:s4] =	ssyncset.s32 $0xFFFFF086  }
0x25: {  	[simem:s6], [sflag:s4] =	dma.local [hbm:s3], $0xF7A  }
0x26: {  	[smem:$0x3F98] =	sst s1;
	(tag) =	ssettag s2;
	_ =	strace s9  }
0x27: {  	s1 =	sld [smem:$0x3FA8]  }
0x28: {  	s2 =	sld [smem:$0x3FA9]  }
0x29: {  	s4 =	sld [smem:$0x3FAB]  }
0x2a: {  	p0 =	seq.s32 s5, $0x0;
	s5 =	sld [smem:$0x3FAC]  }
0x2b: {  	s6 =	sld [smem:$0x3FAD]  }
0x2c: {  	s7 =	sld [smem:$0x3FAE]  }
0x2d: {  	s3 =	simm.s32 $0x108;
	s8 =	sld [smem:$0x3FAF]  }
0x2e: {  	s3 =	simm.s32 @!p0 $0x1082;
	s9 =	sld [smem:$0x3FB0]  }
0x2f: {  	lr =	sadd.s32 s0, s3;
	s0 =	sld [smem:$0x3FA7]  }
0x30: {  	s3 =	sld [smem:$0x3FAA]  }
0x31: {  	[smem:$0x3FB3] =	sst s10  }
0x32: {  	s10 =	sld [smem:$0x3FB1];
	_ =	sdelay $0x3  }
0x33: {  	p0 =	seq.s32 s10, $0x1;
	s10 =	sld [smem:$0x3FB3];
	_ =	sdelay $0x3  }
0x34: {  	[smem:$0x3FB3] =	sst s10  }
0x35: {  	s10 =	sld [smem:$0x3FB2];
	_ =	sdelay $0x3  }
0x36: {  	p1 =	seq.s32 s10, $0x1;
	s10 =	sld [smem:$0x3FB3];
	_ =	sdelay $0x3  }
0x37: {  	[smem:$0x3FB3] =	sst s10  }
0x38: {  	s10 =	sld [smem:$0x3FB4]  }
0x39: {  	_ = 	snop;
	(pc) =	sbr.ind lr, $3  }
0x3a: {  	_ = 	snop  }
0x3b: {  	_ = 	snop  }
0x3c: {  	p2 =	seq.s32 s10, $0x1;
	s10 =	sld [smem:$0x3FB3]  }
0x3d: {  	_ =	shalt  }
0x3e: {  	_ =	shalt  }
0x3f: {  	_ =	shalt  }
0x40: {  	_ =	shalt  }
0x41: {  	_ =	shalt  }
0x42: {  	_ =	shalt  }
0x43: {  	_ =	shalt  }
0x44: {  	_ =	shalt  }
0x45: {  	_ =	shalt  }
0x46: {  	_ =	shalt  }
0x47: {  	_ =	shalt  }
0x48: {  	_ =	shalt  }
0x49: {  	_ =	shalt  }
0x4a: {  	_ =	shalt  }
0x4b: {  	_ =	shalt  }
0x4c: {  	_ =	shalt  }
0x4d: {  	_ =	shalt  }
0x4e: {  	_ =	shalt  }
0x4f: {  	_ =	shalt  }
0x50: {  	_ =	shalt  }
0x51: {  	_ =	shalt  }
0x52: {  	_ =	shalt  }
0x53: {  	_ =	shalt  }
0x54: {  	_ =	shalt  }
0x55: {  	_ =	shalt  }
0x56: {  	_ =	shalt  }
0x57: {  	_ =	shalt  }
0x58: {  	_ =	shalt  }
0x59: {  	_ =	shalt  }
0x5a: {  	_ =	shalt  }
0x5b: {  	_ =	shalt  }
0x5c: {  	_ =	shalt  }
0x5d: {  	_ =	shalt  }
0x5e: {  	_ =	shalt  }
0x5f: {  	_ =	shalt  }
0x60: {  	_ =	shalt  }
0x61: {  	_ =	shalt  }
0x62: {  	_ =	shalt  }
0x63: {  	_ =	shalt  }
0x64: {  	_ =	shalt  }
0x65: {  	_ =	shalt  }
0x66: {  	_ =	shalt  }
0x67: {  	_ =	shalt  }
0x68: {  	_ =	shalt  }
0x69: {  	_ =	shalt  }
0x6a: {  	_ =	shalt  }
0x6b: {  	_ =	shalt  }
0x6c: {  	_ =	shalt  }
0x6d: {  	_ =	shalt  }
0x6e: {  	_ =	shalt  }
0x6f: {  	_ =	shalt  }
0x70: {  	_ =	shalt  }
0x71: {  	_ =	shalt  }
0x72: {  	_ =	shalt  }
0x73: {  	_ =	shalt  }
0x74: {  	_ =	shalt  }
0x75: {  	_ =	shalt  }
0x76: {  	_ =	shalt  }
0x77: {  	_ =	shalt  }
0x78: {  	_ =	shalt  }
0x79: {  	_ =	shalt  }
0x7a: {  	_ =	shalt  }
0x7b: {  	_ =	shalt  }
0x7c: {  	_ =	shalt  }
0x7d: {  	_ =	shalt  }
0x7e: {  	_ =	shalt  }
0x7f: {  	_ =	shalt  }
0x80: {  	_ =	shalt  }
0x81: {  	_ =	shalt  }
0x82: {  	_ =	shalt  }
0x83: {  	_ =	shalt  }
0x84: {  	_ =	shalt  }
0x85: {  	_ =	shalt  }
0x86: {  	_ =	shalt  }
0x87: {  	_ =	shalt  }
.Lfunc_end0:
.L_simem_size_0:
called_computation.2_lowered:
.L_overlay_start_0:
0x88: {  	s2 =	sld [smem:$0x3FD9]  }
0x89: {  	s3 =	sld [smem:$0x3FFE];
	_ =	sdelay $0x1  }
0x8a: {  	s1 =	srdreg.scid  }
0x8b: {  	s0 =	sand.u32 $0x1, s1  }
0x8c: {  	s16 =	sshll.u32 s0, $0xA;
	s2 =	sadd.s32 s3, s2  }
0x8d: {  	s2 =	sadd.s32 s2, s16  }
0x8e: {  	[smem:$0x3FBF] =	sst s2  }
0x8f: {  	_ = 	snop  }
0x90: {  	(tm) =	ssettm $0x1  }
0x91: {  	s17 =	sld [smem:$0x3FFB];
	_ =	sdelay $0x3  }
0x92: {  	_ =	strace s17  }
0x93: {  	s2 =	sld [smem:$0x3FFC];
	_ =	sdelay $0x3  }
0x94: {  	_ =	strace s2  }
0x95: {  	s2 =	sld [smem:$0x3FFD];
	_ =	sdelay $0x3  }
0x96: {  	_ =	strace s2  }
0x97: {  	_ =	strace $0x8FFFFFFF  }
0x98: {  	s18 =	sld [smem:$0x3FDB];
	_ =	sdelay $0x1  }
0x99: {  	s19 =	simm.s32 $_scs_section_size  }
0x9a: {  	s4 =	simm.s32 $_size__tile_overlayer_lowered;
	s5 =	simm.s32 $_tile_overlayer_lowered  }
0x9b: {  	s22 =	simm.s32 $0x1BFF;
	s21 =	sshll.u32 s5, $0x1;
	s2 =	sadd.s32 s19, s18  }
0x9c: {  	s6 =	simm.s32 $0x0;
	s20 =	sshll.u32 s4, $0x1;
	s4 =	sadd.s32 s21, s2  }
0x9d: {  	[timem:s6], [sflag:s22] =	dma.local [hbm:s4], s20  }
0x9e: {  	_ =	swait.ge [sflag:s22], s20  }
0x9f: {  	s3 =	ssub.s32 $0x0, s20;
	[sflag:s22] =	ssyncset.done $0x0  }
0xa0: {  	[sflag:s22] =	ssyncadd.s32 s3;
	_ =	sdelay $0x1  }
0xa1: {  	s23 =	simm.s32 $0x1B8B  }
0xa2: {  	_ =	swait.ge [sflag:s23], $0x1  }
0xa3: {  	[sflag:s23] =	ssyncset.done $0x0  }
0xa4: {  	s25 =	simm.s32 $0x1B8E;
	s24 =	sld [smem:$0x3FFE];
	[sflag:s23] =	ssyncadd.s32 $0xFFFFFFFF  }
0xa5: {  	s26 =	simm.s32 $execute0_lowered;
	[smem:$0x3FD2] =	sst s25  }
0xa6: {  	s4 =	sshll.u32 s26, $0x1;
	_ =	strace $0x8000004C;
	[dreg:$0x1] =	wrdreg $0xFFFFFFFF  }
0xa7: {  	s28 =	simm.s32 $_size_execute0_lowered;
	s2 =	sadd.s32 s2, s4;
	[dreg:$0x0] =	wrdreg $0x0  }
0xa8: {  	s4 =	sshll.u32 s28, $0x1;
	[dreg:$0x2] =	wrdreg s2  }
0xa9: {  	[dreg:$0x3] =	wrdreg s4  }
0xaa: {  	[dreg:$0x4] =	wrdreg $0xC0  }
0xab: {  	_ =	task [dreg:s6], $0x5FFFF  }
0xac: {  	[dreg:$0x1] =	wrdreg $0xFFFFFFFF  }
0xad: {  	[dreg:$0x0] =	wrdreg $0x60  }
0xae: {  	[dreg:$0x2] =	wrdreg s24  }
0xaf: {  	[dreg:$0x3] =	wrdreg $0x120000  }
0xb0: {  	[dreg:$0x4] =	wrdreg $0x9  }
0xb1: {  	_ =	task.clear_ibuf [dreg:s6], $0x5FFFF;
	_ =	strace $0x9000004C  }
0xb2: {  	s29 =	simm.s32 $0x9;
	_ =	strace $0x8000004E  }
0xb3: {  	_ =	swait.ge [sflag:s29], $0x1  }
0xb4: {  	[sflag:s29] =	ssyncadd.s32 $0xFFFFFFFF  }
0xb5: {  	_ =	strace $0x9000004E  }
0xb6: {  	_ =	sfence  }
0xb7: {  	s30 =	sld [smem:$0x0];
	_ =	sdelay $0x2  }
0xb8: {  	s31 =	sshll.u32 s1, $0xD;
	s1 =	sshrl.u32 s1, $0x2  }
0xb9: {  	s3 =	sand.u32 $0x4000, s31;
	s1 =	sadd.s32 s1, s30  }
0xba: {  	s0 =	sor.u32 s3, s0;
	s1 =	sshll.u32 s1, $0x11  }
0xbb: {  	s0 =	sor.u32 s1, s0  }
0xbc: {  	s0 =	sadd.s32 $0x8F2B, s0  }
0xbd: {  	[sflag:s0] =	ssyncadd.remote.s32 $0x1  }
0xbe: {  	_ =	sfence.sel $0xFFFF  }
0xbf: {  	[dreg:$0x0] =	wrdreg $0xFFFFFFFF;
	(pc) =	sbr.abs _section_cstart, $3  }
0xc0: {  	[dreg:$0x1] =	wrdreg $0xFFFFFFFF  }
0xc1: {  	_ =	task.clear_ibuf [dreg:s6], $0x2FFFF;
	_ =	strace $0x9FFFFFFF  }
0xc2: {  	(tm) =	ssettm $0x7FFFFFFF  }
0xc3: {  	_ =	shalt  }
tec
execute0_lowered:
.L_overlay_start_1:
0x0: {  	(tag) =	ssettag $0x1  }
0x1: {  	s5 =	rddreg [dreg:$0x0]  }
0x2: {  	s2 =	rddreg [dreg:$0x1]  }
0x3: {  	s0 =	rddreg [dreg:$0x2]  }
0x4: {  	s1 =	stileid.u32;
	s4 =	srdreg.scid;
	s3 =	simm.s32 $0x0  }
0x5: {  	s14 =	simm.s32 $0x80;
	s15 =	simm.s32 $0xA000;
	s6 =	smul.u32 $0xA00, s1  }
0x6: {  	s16 =	simm.s32 $0xE000;
	s17 =	simm.s32 $0x1;
	s9 =	smul.u32 $0xA000, s1  }
0x7: {  	s18 =	simm.s32 $0x2;
	s20 =	simm.s32 $0x9F80;
	s26 =	smul.u32 $0x140, s1  }
0x8: {  	s21 =	simm.s32 $0x0;
	s7 =	sand.u32 $0x1, s4;
	s11 =	smul.u32 $0x28000, s1  }
0x9: {  	[smem:$0x7FF] =	sst s3;
	s4 =	sadd.s32 $0x17600, s5;
	s8 =	smul.u32 $0xA0000, s7  }
0xa: {  	s31 =	sshll.u32 s1, $0x6;
	s19 =	smul.u32 $0x1400, s7;
	s7 =	ssub.s32 $0x2, s7  }
0xb: {  	_ =	strace $0x8000004D;
	s10 =	sadd.s32 s6, s5;
	s28 =	sshrl.u32 s7, $0x1  }
0xc: {  	s30 =	sshrl.u32 s11, $0x2;
	s25 =	sadd.s32 s9, s8;
	s13 =	ssub.s32 s7, s28  }
0xd: {  	s29 =	sadd.s32 s26, s19;
	s11 =	sadd.s32 s30, s2;
	s7 =	sadd.s32 $0x3600, s10  }
0xe: {  	s8 =	sadd.s32 $0xD600, s10;
	v0 =	vmov s19;
	s19 =	simm.s32 $0x9F00;
	s6 =	sshrl.u32 s25, $0x3  }
0xf: {  	s10 =	smax.u32 s13, $0x1;
	s11 =	sshrl.u32 s11, $0x3;
	s13 =	simm.s32 $0x5000  }
0x10: {  	s12 =	sadd.s32 s6, s5;
	s5 =	sshll.u32 s29, $0x4;
	s6 =	sor.u32 $0x1C03, s31  }
0x11: {  	s5 =	sadd.s32 s4, s5;
	s9 =	sadd.s32 $0x3F600, s12;
	s12 =	simm.s32 $0x3  }
.LBB2_1:
0x12: {  	[spmem:s11], [sflag:s6] =	dma.local [hbm:s5], $0x1400  }
0x13: {  	_ =	swait.ge [sflag:s12], $0x1400  }
0x14: {  	[sflag:s12] =	ssyncset.done $0x0  }
0x15: {  	[sflag:s12] =	ssyncadd.s32 $0xFFFFEC00  }
0x16: {  	[tilespmem:s3], [sflag:$0x3] =	stream.linear.gather [hbm4b:s7+s3], $0x5000, $0x38;
	[tilespmem:$0x1C000] =	vst v63  }
0x17: {  	_ =	swait.ge [sflag:s12], $0x5000  }
0x18: {  	[sflag:s12] =	ssyncset.done $0x0  }
0x19: {  	[sflag:s12] =	ssyncadd.s32 $0xFFFFB000  }
0x1a: {  	[tilespmem:s13], [sflag:$0x3] =	stream.linear.gather [hbm4b:s8+s3], $0x5000, $0x38;
	[tilespmem:$0x1C000] =	vst v63  }
0x1b: {  	_ =	swait.ge [sflag:s12], $0x5000  }
0x1c: {  	[sflag:s12] =	ssyncset.done $0x0  }
0x1d: {  	s22 =	simm.s32 $0x70;
	[sflag:s12] =	ssyncadd.s32 $0xFFFFB000  }
0x1e: {  	v1 =	vld [tilespmem:s22+$0x4F90]  }
0x1f: {  	v2 =	vld [tilespmem:s22+$0x4FA0];
	_ =	sdelay $0x2  }
0x20: {  	v3 =	vld [tilespmem:s22+$0x4FB0]  }
0x21: {  	v8 =	vld [tilespmem:s22+$0x4FC0]  }
0x22: {  	v4 =	vsub.s32 v1, v0;
	v1 =	vand.u32 $0x3F, v1;
	v6 =	vsub.s32 v2, v0  }
0x23: {  	v5 =	vld [tilespmem:s22+$0x4FD0];
	v2 =	vand.u32 $0x3F, v2;
	vm0 =	vlt.u32 v4, $0x1400;
	v1 =	vadd.s32 $0x1388, v1  }
0x24: {  	v4 =	vsel vm0, v4, v1;
	vm0 =	vlt.u32 v6, $0x1400;
	v1 =	vadd.s32 $0x1388, v2  }
0x25: {  	v2 =	vsel vm0, v6, v1;
	v6 =	vsub.s32 v3, v0;
	v1 =	vand.u32 $0x3F, v3;
	v3 =	vld [tilespmem:s22+$0x4FE0]  }
0x26: {  	v7 =	vsub.s32 v8, v0;
	vm0 =	vlt.u32 v6, $0x1400;
	v9 =	vadd.s32 $0x1388, v1;
	v1 =	vld [tilespmem:s22+$0x4FF0]  }
0x27: {  	s23 =	simm.s32 $0x3C0;
	v8 =	vand.u32 $0x3F, v8;
	v6 =	vsel vm0, v6, v9;
	vm0 =	vlt.u32 v7, $0x1400  }
.LBB2_2:
0x28: {  	p0 =	sne.s32 s23, $0x13FC0;
	v8 =	vadd.s32 $0x1388, v8;
	v9 =	vsub.s32 v5, v0;
	v5 =	vand.u32 $0x3F, v5;
	v10 =	vld [tilespmem:s22+$0x5000]  }
0x29: {  	s24 =	sshra.s32 s23, $0x2;
	[tilespmem:s22+$0x4F90] =	vst v4;
	v4 =	vsel vm0, v7, v8;
	vm0 =	vlt.u32 v9, $0x1400;
	v5 =	vadd.s32 $0x1388, v5  }
0x2a: {  	v7 =	vld [tilespmem:s24+$0x4F90];
	[tilespmem:s22+$0x4FA0] =	vst v2;
	v2 =	vsel vm0, v9, v5;
	v5 =	vsub.s32 v3, v0;
	v3 =	vand.u32 $0x3F, v3  }
0x2b: {  	[tilespmem:s22+$0x4FB0] =	vst v6;
	vm0 =	vlt.u32 v5, $0x1400;
	v3 =	vadd.s32 $0x1388, v3;
	v6 =	vsub.s32 v1, v0  }
0x2c: {  	v1 =	vand.u32 $0x3F, v1;
	v8 =	vld [tilespmem:s24+$0x4FA0];
	[tilespmem:s22+$0x4FC0] =	vst v4;
	v3 =	vsel vm0, v5, v3;
	vm0 =	vlt.u32 v6, $0x1400  }
0x2d: {  	v1 =	vadd.s32 $0x1388, v1;
	[tilespmem:s22+$0x4FD0] =	vst v2;
	v2 =	vsub.s32 v10, v0;
	v4 =	vand.u32 $0x3F, v10  }
0x2e: {  	v1 =	vsel vm0, v6, v1;
	v9 =	vld [tilespmem:s24+$0x4FB0];
	[tilespmem:s22+$0x4FE0] =	vst v3;
	vm0 =	vlt.u32 v2, $0x1400;
	v3 =	vadd.s32 $0x1388, v4  }
0x2f: {  	v4 =	vsub.s32 v7, v0;
	v10 =	vld [tilespmem:s24+$0x4FC0];
	[tilespmem:s22+$0x4FF0] =	vst v1;
	v1 =	vsel vm0, v2, v3  }
0x30: {  	v2 =	vand.u32 $0x3F, v7;
	vm0 =	vlt.u32 v4, $0x1400;
	[tilespmem:s22+$0x5000] =	vst v1;
	s22 =	smov.u32 s24  }
.Ltmp0:
0x31: {  	v1 =	vadd.s32 $0x1388, v2;
	v2 =	vsub.s32 v8, v0;
	v3 =	vand.u32 $0x3F, v8;
	v5 =	vld [tilespmem:s22+$0x4FD0];
	(pc) =	sbr.rel @p0 .LBB2_2-.Ltmp0, $4  }
0x32: {  	v4 =	vsel vm0, v4, v1;
	vm0 =	vlt.u32 v2, $0x1400;
	v1 =	vadd.s32 $0x1388, v3  }
0x33: {  	v2 =	vsel vm0, v2, v1;
	v6 =	vsub.s32 v9, v0;
	v1 =	vand.u32 $0x3F, v9;
	v3 =	vld [tilespmem:s22+$0x4FE0]  }
0x34: {  	vm0 =	vlt.u32 v6, $0x1400;
	v8 =	vadd.s32 $0x1388, v1;
	v7 =	vsub.s32 v10, v0;
	v1 =	vld [tilespmem:s22+$0x4FF0]  }
0x35: {  	s23 =	sadd.s32 $0x200, s23;
	v6 =	vsel vm0, v6, v8;
	vm0 =	vlt.u32 v7, $0x1400;
	v8 =	vand.u32 $0x3F, v10  }
0x36: {  	v8 =	vadd.s32 $0x1388, v8;
	v9 =	vsub.s32 v5, v0;
	v59 =	vand.u32 $0x3F, v5;
	v10 =	vld [tilespmem:s22+$0x5000]  }
0x37: {  	[tilespmem:s22+$0x4F90] =	vst v4;
	v60 =	vsel vm0, v7, v8;
	vm12 =	vlt.u32 v9, $0x1400;
	v5 =	vadd.s32 $0x1388, v59  }
0x38: {  	[tilespmem:s22+$0x4FA0] =	vst v2;
	v2 =	vsel vm12, v9, v5;
	v61 =	vsub.s32 v3, v0;
	v3 =	vand.u32 $0x3F, v3  }
0x39: {  	[tilespmem:s22+$0x4FB0] =	vst v6;
	vm13 =	vlt.u32 v61, $0x1400;
	v3 =	vadd.s32 $0x1388, v3;
	v62 =	vsub.s32 v1, v0  }
0x3a: {  	[tilespmem:s22+$0x4FC0] =	vst v60;
	v1 =	vand.u32 $0x3F, v1;
	v3 =	vsel vm13, v61, v3;
	vm14 =	vlt.u32 v62, $0x1400  }
0x3b: {  	[tilespmem:s22+$0x4FD0] =	vst v2;
	v1 =	vadd.s32 $0x1388, v1;
	v2 =	vsub.s32 v10, v0;
	v63 =	vand.u32 $0x3F, v10  }
0x3c: {  	[tilespmem:s22+$0x4FE0] =	vst v3;
	v1 =	vsel vm14, v62, v1;
	vm15 =	vlt.u32 v2, $0x1400;
	v3 =	vadd.s32 $0x1388, v63  }
0x3d: {  	[tilespmem:s22+$0x4FF0] =	vst v1;
	v1 =	vsel vm15, v2, v3  }
0x3e: {  	[tilespmem:s22+$0x5000] =	vst v1  }
0x3f: {  	s28 =	simm.s32 $0x0;
	[bflag:$0x0] =	sbarrier.arrive $0xFFFF  }
0x40: {  	[tilespmem:s15], [sflag:$0x1] =	stream.indirect.gather [hbm4b:s4+s14], $0x80, s28, s14, $0xb8;
	[tilespmem:$0x1C000] =	vst v63  }
0x41: {  	_ = 	snop  }
0x42: {  	[tilespmem:s16], [sflag:$0x2] =	stream.indirect.gather [hbm4b:s4+s14], $0x80, s14, s14, $0xb8;
	[tilespmem:$0x1C000] =	vst v63  }
0x43: {  	_ =	swait.ge [sflag:s17], $0x4000  }
0x44: {  	[sflag:s17] =	ssyncset.done $0x0  }
0x45: {  	s29 =	simm.s32 $0x5000;
	[sflag:s17] =	ssyncadd.s32 $0xFFFFC000  }
0x46: {  	[spmem:s2] =	stream.indirect.scatter.add.f32 [tilespmem:s15], [sflag:$0x3], $0x80, s29, s14, $0xb8;
	[tilespmem:$0x1C000] =	vst v63  }
0x47: {  	_ =	swait.ge [sflag:s12], $0x4000  }
0x48: {  	[sflag:s12] =	ssyncset.done $0x0  }
0x49: {  	s30 =	simm.s32 $0x100;
	[sflag:s12] =	ssyncadd.s32 $0xFFFFC000  }
0x4a: {  	[tilespmem:s15], [sflag:$0x1] =	stream.indirect.gather [hbm4b:s4+s14], $0x80, s30, s14, $0xb8;
	[tilespmem:$0x1C000] =	vst v63  }
0x4b: {  	_ =	swait.ge [sflag:s18], $0x4000  }
0x4c: {  	[sflag:s18] =	ssyncset.done $0x0  }
0x4d: {  	s31 =	simm.s32 $0x5080;
	[sflag:s18] =	ssyncadd.s32 $0xFFFFC000  }
0x4e: {  	[spmem:s2] =	stream.indirect.scatter.add.f32 [tilespmem:s16], [sflag:$0x3], $0x80, s31, s14, $0xb8;
	[tilespmem:$0x1C000] =	vst v63  }
0x4f: {  	_ =	swait.ge [sflag:s12], $0x4000  }
0x50: {  	[sflag:s12] =	ssyncset.done $0x0  }
0x51: {  	s23 =	simm.s32 $0x180;
	s22 =	simm.s32 $0x400;
	[sflag:s12] =	ssyncadd.s32 $0xFFFFC000  }
.LBB2_4:
0x52: {  	[tilespmem:s16], [sflag:$0x2] =	stream.indirect.gather [hbm4b:s4+s14], $0x80, s23, s14, $0xb8;
	[tilespmem:$0x1C000] =	vst v63  }
0x53: {  	s23 =	smov.u32 s22  }
0x54: {  	p0 =	sne.s32 s22, $0x13800;
	s22 =	sadd.s32 $0x400, s22;
	_ =	swait.ge [sflag:s17], $0x4000  }
0x55: {  	s23 =	sshra.s32 s23, $0x2;
	[sflag:s17] =	ssyncset.done $0x0  }
0x56: {  	s24 =	sadd.s32 $0x5000, s23;
	[sflag:s17] =	ssyncadd.s32 $0xFFFFC000  }
0x57: {  	[spmem:s2] =	stream.indirect.scatter.add.f32 [tilespmem:s15], [sflag:$0x3], $0x80, s24, s14, $0xb8;
	[tilespmem:$0x1C000] =	vst v63  }
0x58: {  	_ =	swait.ge [sflag:s12], $0x4000  }
0x59: {  	[sflag:s12] =	ssyncset.done $0x0  }
0x5a: {  	s24 =	sadd.s32 $0x100, s23;
	[sflag:s12] =	ssyncadd.s32 $0xFFFFC000  }
0x5b: {  	[tilespmem:s15], [sflag:$0x1] =	stream.indirect.gather [hbm4b:s4+s14], $0x80, s24, s14, $0xb8;
	[tilespmem:$0x1C000] =	vst v63  }
0x5c: {  	_ =	swait.ge [sflag:s18], $0x4000  }
0x5d: {  	[sflag:s18] =	ssyncset.done $0x0  }
.Ltmp1:
0x5e: {  	s24 =	sadd.s32 $0x5080, s23;
	[sflag:s18] =	ssyncadd.s32 $0xFFFFC000;
	(pc) =	sbr.rel @p0 .LBB2_4-.Ltmp1, $4  }
0x5f: {  	[spmem:s2] =	stream.indirect.scatter.add.f32 [tilespmem:s16], [sflag:$0x3], $0x80, s24, s14, $0xb8;
	[tilespmem:$0x1C000] =	vst v63  }
0x60: {  	_ =	swait.ge [sflag:s12], $0x4000  }
0x61: {  	[sflag:s12] =	ssyncset.done $0x0  }
0x62: {  	s23 =	sadd.s32 $0x180, s23;
	[sflag:s12] =	ssyncadd.s32 $0xFFFFC000  }
0x63: {  	[tilespmem:s16], [sflag:$0x2] =	stream.indirect.gather [hbm4b:s4+s14], $0x80, s23, s14, $0xb8;
	[tilespmem:$0x1C000] =	vst v63  }
0x64: {  	_ =	swait.ge [sflag:s17], $0x4000  }
0x65: {  	[sflag:s17] =	ssyncset.done $0x0  }
0x66: {  	[sflag:s17] =	ssyncadd.s32 $0xFFFFC000  }
0x67: {  	[spmem:s2] =	stream.indirect.scatter.add.f32 [tilespmem:s15], [sflag:$0x3], $0x80, s19, s14, $0xb8;
	[tilespmem:$0x1C000] =	vst v63  }
0x68: {  	_ =	swait.ge [sflag:s12], $0x4000  }
0x69: {  	[sflag:s12] =	ssyncset.done $0x0  }
0x6a: {  	[sflag:s12] =	ssyncadd.s32 $0xFFFFC000  }
0x6b: {  	_ =	swait.ge [sflag:s18], $0x4000  }
0x6c: {  	[sflag:s18] =	ssyncset.done $0x0  }
0x6d: {  	[sflag:s18] =	ssyncadd.s32 $0xFFFFC000  }
0x6e: {  	[spmem:s2] =	stream.indirect.scatter.add.f32 [tilespmem:s16], [sflag:$0x3], $0x80, s20, s14, $0xb8;
	[tilespmem:$0x1C000] =	vst v63  }
0x6f: {  	_ =	swait.ge [sflag:s12], $0x4000  }
0x70: {  	s21 =	sadd.s32 $0x1, s21;
	[sflag:s12] =	ssyncset.done $0x0  }
0x71: {  	p0 =	sne.s32 s21, s10;
	[sflag:s12] =	ssyncadd.s32 $0xFFFFC000  }
.Ltmp2:
0x72: {  	[bflag:$0x0] =	sbarrier.arrive $0xFFFF;
	(pc) =	sbr.rel @p0 .LBB2_1-.Ltmp2, $4  }
0x73: {  	[hbm:s9], [sflag:s6] =	dma.local [spmem:s11], $0x1400  }
0x74: {  	_ =	swait.ge [sflag:s12], $0x1400  }
0x75: {  	[sflag:s12] =	ssyncset.done $0x0  }
0x76: {  	[sflag:s12] =	ssyncadd.s32 $0xFFFFEC00  }
0x77: {  	_ =	sfence.sel $0x180000  }
0x78: {  	[bflag:$0x0] =	sbarrier.arrive $0xFFFF  }
0x79: {  	p0 =	sne.s32 s1, $0x0;
	_ =	strace $0x9000004D  }
0x7a: {  	s0 =	sadd.s32 @!p0 $0x100000, s0;
	[bflag:$0x2] =	sbarrier.arrive $0xFFFF  }
0x7b: {  	[sflag:s0] =	ssyncadd.tile.s32 @!p0 $0x1;
	_ =	shalt  }
.Lfunc_end2:
_tile_overlayer_lowered:
.L_overlay_start_2:
0x7c: {  	(tag) =	ssettag $0x2  }
0x7d: {  	s0 =	rddreg [dreg:$0x0];
	s2 =	stileid.u32  }
0x7e: {  	s1 =	rddreg [dreg:$0x1];
	p0 =	sne.s32 s2, $0x0  }
0x7f: {  	s3 =	rddreg [dreg:$0x2];
	[bflag:$0x3] =	sbarrier.arrive $0xFFFF;
	s2 =	simm.s32 @!p0 $0x1C03  }
0x80: {  	[timem:s3], [sflag:s2] =	dma.local @!p0 [hbm:s0], s1  }
0x81: {  	s0 =	simm.s32 @!p0 $0x3  }
0x82: {  	_ =	swait.ge @!p0 [sflag:s0], s1  }
0x83: {  	s1 =	ssub.s32 @!p0 $0x0, s1;
	[sflag:s0] =	ssyncset.done @!p0 $0x0  }
0x84: {  	[sflag:s0] =	ssyncadd.s32 @!p0 s1  }
0x85: {  	[bflag:$0x3] =	sbarrier.arrive $0xFFFF  }
0x86: {  	_ =	shalt  }

</sc_bundles>
